<compile_context>
chip_gen: v7x
topology: tpu7x:2x2x1
jax: 0.10.2.dev20260603
libtpu: 0.0.44.dev20260713+nightly
codegen_flags: <defaults>
</compile_context>

<pallas_src>
import functools

import jax
import jax.numpy as jnp
from jax import lax
from jax.experimental import pallas as pl
from jax.experimental.pallas import tpu as pltpu
from jax.experimental.pallas import tpu_sc as plsc

NUM_CORES = 2
NUM_SUBCORES = 16
NUM_WORKERS = NUM_CORES * NUM_SUBCORES
LANES = 16

BATCH_N = 4096
NUM_EMB = 1000000
SEQ = 200
DIM = 64
NCLS = 3
B_PER_W = BATCH_N // NUM_WORKERS
IDS_PER_W = B_PER_W * SEQ
C1 = 128
C2 = SEQ - C1
DREG = DIM // LANES
OUT_W = LANES


def _sc_body(ids_hbm, table_hbm, wt_hbm, bv_hbm, out_hbm,
             idx_v, rows0_v, rows1_v, wt_v, bv_v, out_v, sem0, sem1):
    wid = lax.axis_index("s") * NUM_CORES + lax.axis_index("c")
    base = wid * B_PER_W

    pltpu.sync_copy(ids_hbm.at[pl.ds(base * SEQ, IDS_PER_W)], idx_v)
    pltpu.sync_copy(wt_hbm, wt_v)
    pltpu.sync_copy(bv_hbm, bv_v)

    w = [[wt_v[pl.ds(c * DIM + k * LANES, LANES)] for k in range(DREG)]
         for c in range(NCLS)]
    bvec = [bv_v[pl.ds(c * LANES, LANES)] for c in range(NCLS)]

    def fire(i, buf, s):
        pltpu.async_copy(table_hbm.at[idx_v.at[pl.ds(i * SEQ, C1)]],
                         buf.at[pl.ds(0, C1)], s)
        pltpu.async_copy(table_hbm.at[idx_v.at[pl.ds(i * SEQ + C1, C2)]],
                         buf.at[pl.ds(C1, C2)], s)

    def drain(buf, s):
        pltpu.make_async_copy(table_hbm.at[pl.ds(0, SEQ)], buf, s).wait()

    zero = jnp.zeros((LANES,), jnp.float32)
    lane = lax.iota(jnp.int32, LANES)

    def process(i, buf, s):
        drain(buf, s)

        def accum(t, acc):
            return tuple(acc[k] + buf[t, pl.ds(k * LANES, LANES)]
                         for k in range(DREG))

        acc = lax.fori_loop(0, SEQ, accum, (zero,) * DREG, unroll=8)

        nxt = i + 2
        @pl.when(nxt < B_PER_W)
        def _():
            fire(nxt, buf, s)

        res = zero
        for c in range(NCLS):
            t = bvec[c]
            for k in range(DREG):
                t = t + acc[k] * w[c][k]
            res = jnp.where(lane == c, jnp.full((LANES,), jnp.sum(t)), res)
        out_v[pl.ds(i * OUT_W, OUT_W)] = res

    fire(0, rows0_v, sem0)
    fire(1, rows1_v, sem1)

    def pair(j, carry):
        process(2 * j, rows0_v, sem0)
        process(2 * j + 1, rows1_v, sem1)
        return carry

    lax.fori_loop(0, B_PER_W // 2, pair, 0)
    pltpu.sync_copy(out_v, out_hbm.at[pl.ds(base * OUT_W, B_PER_W * OUT_W)])


_sc_call = pl.kernel(
    _sc_body,
    out_type=jax.ShapeDtypeStruct((BATCH_N * OUT_W,), jnp.float32),
    mesh=plsc.VectorSubcoreMesh(core_axis_name="c", subcore_axis_name="s"),
    compiler_params=pltpu.CompilerParams(
        needs_layout_passes=False, use_tc_tiling_on_sc=False),
    scratch_types=[
        pltpu.VMEM((IDS_PER_W,), jnp.int32),
        pltpu.VMEM((SEQ, DIM), jnp.float32),
        pltpu.VMEM((SEQ, DIM), jnp.float32),
        pltpu.VMEM((NCLS * DIM,), jnp.float32),
        pltpu.VMEM((NCLS * LANES,), jnp.float32),
        pltpu.VMEM((B_PER_W * OUT_W,), jnp.float32),
        pltpu.SemaphoreType.DMA,
        pltpu.SemaphoreType.DMA,
    ],
)


@jax.jit
def kernel(subword_ids, table, W, b):
    wt = (W.T / SEQ).astype(jnp.float32).reshape(-1)
    bv = jnp.broadcast_to(b[:, None] / LANES,
                          (NCLS, LANES)).astype(jnp.float32).reshape(-1)
    out = _sc_call(subword_ids.reshape(-1), table, wt, bv)
    return out.reshape(BATCH_N, OUT_W)[:, :NCLS]

# --- scband reference (transcript-rebuilt; emitter-appended) ---
"""Pipeline reference for scband-fasttext-classifier-vec-avg-32152125178137 (READ-ONLY COPY).

The authoritative reference and input builder live on the scoring server;
editing this copy changes nothing except your own understanding.
"""

import jax, jax.numpy as jnp
import numpy as np

NUM_EMBEDDINGS = 1000000
EMBED_DIM = 64
NUM_CLASSES = 3
BATCH = 4096
SEQ_LEN = 200


def setup_inputs(seed: int = 0) -> dict:
    key = jax.random.key(seed)
    k1, k2, k3 = jax.random.split(key, 3)
    subword_ids = jax.random.randint(k1, (BATCH, SEQ_LEN), 0, NUM_EMBEDDINGS, dtype=jnp.int32)
    # frozen pretrained fasttext input matrix
    table = jax.random.normal(k2, (NUM_EMBEDDINGS, EMBED_DIM), dtype=jnp.float32) * 0.02
    W = jax.random.normal(k3, (EMBED_DIM, NUM_CLASSES), dtype=jnp.float32) * 0.05
    b = jnp.zeros((NUM_CLASSES,), dtype=jnp.float32)
    return {"subword_ids": subword_ids, "table": table, "W": W, "b": b}


def reference(subword_ids, table, W, b):
    # embedding lookup: gather rows of the pretrained fasttext matrix
    emb = jnp.take(table, subword_ids, axis=0)          # [B, L, D]
    # fasttext vec-avg: mean over subword tokens per example
    seq = jnp.mean(emb, axis=1)                          # [B, D]
    # linear classifier
    logits = seq @ W + b                                 # [B, NUM_CLASSES]
    return logits

if __name__ == "__main__":
    import jax
    _d = setup_inputs()
    print(jax.jit(kernel)(*tuple(_d.values())))

</pallas_src>

<mosaic_0001>
#map = affine_map<(d0, d1) -> (0)>
#map1 = affine_map<(d0, d1) -> (0, 0)>
module attributes {stable_mosaic.version = 14 : i64} {
  func.func @_sc_body(%arg0: i32, %arg1: i32, %arg2: memref<819200xi32, #tpu.memory_space<hbm>>, %arg3: memref<1000000x64xf32, #tpu.memory_space<hbm>>, %arg4: memref<192xf32, #tpu.memory_space<hbm>>, %arg5: memref<48xf32, #tpu.memory_space<hbm>>, %arg6: memref<65536xf32, #tpu.memory_space<hbm>>, %arg7: memref<25600xi32, #tpu.memory_space<vmem>>, %arg8: memref<200x64xf32, #tpu.memory_space<vmem>>, %arg9: memref<200x64xf32, #tpu.memory_space<vmem>>, %arg10: memref<192xf32, #tpu.memory_space<vmem>>, %arg11: memref<48xf32, #tpu.memory_space<vmem>>, %arg12: memref<2048xf32, #tpu.memory_space<vmem>>, %arg13: memref<!tpu.dma_semaphore, #tpu.memory_space<semaphore_mem>>, %arg14: memref<!tpu.dma_semaphore, #tpu.memory_space<semaphore_mem>>) attributes {dimension_semantics = [#tpu.dimension_semantics<core_parallel>, #tpu.dimension_semantics<subcore_parallel>], iteration_bounds = array<i64: 2, 16>, scalar_prefetch = 0 : i64, scratch_operands = 8 : i64, tpu.core_type = #tpu.core_type<sc_vector_subcore>, window_params = [{transform_indices = #map}, {transform_indices = #map1}, {transform_indices = #map}, {transform_indices = #map}, {transform_indices = #map}]} {
    %mul3A = arith.constant 2 : i32
    %mul3A_0 = arith.muli %arg1, %mul3A : i32
    %add3A = arith.addi %mul3A_0, %arg0 : i32
    %mul3A_1 = arith.constant 128 : i32
    %mul3A_2 = arith.muli %add3A, %mul3A_1 : i32
    %mul3A_3 = arith.constant 200 : i32
    %mul3A_4 = arith.muli %mul3A_2, %mul3A_3 : i32
    "tpu.region"() ({
      %run_scoped3A = tpu.sem_alloc : memref<!tpu.dma_semaphore, #tpu.memory_space<semaphore_mem>>
      %dma_start3A_73 = tpu.memref_slice %arg2[%mul3A_4] : memref<819200xi32, #tpu.memory_space<hbm>> -> memref<25600xi32, #tpu.memory_space<hbm>>
      %dma_start3A_74 = tpu.memref_slice %arg2[%mul3A_4] : memref<819200xi32, #tpu.memory_space<hbm>> -> memref<25600xi32, #tpu.memory_space<hbm>>
      tpu.enqueue_dma source(%dma_start3A_74 : memref<25600xi32, #tpu.memory_space<hbm>>) target(%arg7 : memref<25600xi32, #tpu.memory_space<vmem>>) target_semaphore(%run_scoped3A : memref<!tpu.dma_semaphore, #tpu.memory_space<semaphore_mem>>)
      %dma_wait3A = tpu.memref_slice %arg2[%mul3A_4] : memref<819200xi32, #tpu.memory_space<hbm>> -> memref<25600xi32, #tpu.memory_space<hbm>>
      %dma_wait3A_75 = tpu.memref_slice %arg2[%mul3A_4] : memref<819200xi32, #tpu.memory_space<hbm>> -> memref<25600xi32, #tpu.memory_space<hbm>>
      tpu.wait_dma2 semaphore(%run_scoped3A : memref<!tpu.dma_semaphore, #tpu.memory_space<semaphore_mem>>) src(%dma_wait3A_75 : memref<25600xi32, #tpu.memory_space<hbm>>) dst(%arg7 : memref<25600xi32, #tpu.memory_space<vmem>>)
      tpu.yield
    }) : () -> ()
    "tpu.region"() ({
      %run_scoped3A = tpu.sem_alloc : memref<!tpu.dma_semaphore, #tpu.memory_space<semaphore_mem>>
      tpu.enqueue_dma source(%arg4 : memref<192xf32, #tpu.memory_space<hbm>>) target(%arg10 : memref<192xf32, #tpu.memory_space<vmem>>) target_semaphore(%run_scoped3A : memref<!tpu.dma_semaphore, #tpu.memory_space<semaphore_mem>>)
      tpu.wait_dma2 semaphore(%run_scoped3A : memref<!tpu.dma_semaphore, #tpu.memory_space<semaphore_mem>>) src(%arg4 : memref<192xf32, #tpu.memory_space<hbm>>) dst(%arg10 : memref<192xf32, #tpu.memory_space<vmem>>)
      tpu.yield
    }) : () -> ()
    "tpu.region"() ({
      %run_scoped3A = tpu.sem_alloc : memref<!tpu.dma_semaphore, #tpu.memory_space<semaphore_mem>>
      tpu.enqueue_dma source(%arg5 : memref<48xf32, #tpu.memory_space<hbm>>) target(%arg11 : memref<48xf32, #tpu.memory_space<vmem>>) target_semaphore(%run_scoped3A : memref<!tpu.dma_semaphore, #tpu.memory_space<semaphore_mem>>)
      tpu.wait_dma2 semaphore(%run_scoped3A : memref<!tpu.dma_semaphore, #tpu.memory_space<semaphore_mem>>) src(%arg5 : memref<48xf32, #tpu.memory_space<hbm>>) dst(%arg11 : memref<48xf32, #tpu.memory_space<vmem>>)
      tpu.yield
    }) : () -> ()
    %get3A = arith.constant 0 : index
    %get3A_5 = tpu.vector_load %arg10[%get3A] {strides = array<i32>} : memref<192xf32, #tpu.memory_space<vmem>>, vector<16xf32>,
    %get3A_6 = arith.constant 16 : index
    %get3A_7 = tpu.vector_load %arg10[%get3A_6] {strides = array<i32>} : memref<192xf32, #tpu.memory_space<vmem>>, vector<16xf32>,
    %get3A_8 = arith.constant 32 : index
    %get3A_9 = tpu.vector_load %arg10[%get3A_8] {strides = array<i32>} : memref<192xf32, #tpu.memory_space<vmem>>, vector<16xf32>,
    %get3A_10 = arith.constant 48 : index
    %get3A_11 = tpu.vector_load %arg10[%get3A_10] {strides = array<i32>} : memref<192xf32, #tpu.memory_space<vmem>>, vector<16xf32>,
    %get3A_12 = arith.constant 64 : index
    %get3A_13 = tpu.vector_load %arg10[%get3A_12] {strides = array<i32>} : memref<192xf32, #tpu.memory_space<vmem>>, vector<16xf32>,
    %get3A_14 = arith.constant 80 : index
    %get3A_15 = tpu.vector_load %arg10[%get3A_14] {strides = array<i32>} : memref<192xf32, #tpu.memory_space<vmem>>, vector<16xf32>,
    %get3A_16 = arith.constant 96 : index
    %get3A_17 = tpu.vector_load %arg10[%get3A_16] {strides = array<i32>} : memref<192xf32, #tpu.memory_space<vmem>>, vector<16xf32>,
    %get3A_18 = arith.constant 112 : index
    %get3A_19 = tpu.vector_load %arg10[%get3A_18] {strides = array<i32>} : memref<192xf32, #tpu.memory_space<vmem>>, vector<16xf32>,
    %get3A_20 = arith.constant 128 : index
    %get3A_21 = tpu.vector_load %arg10[%get3A_20] {strides = array<i32>} : memref<192xf32, #tpu.memory_space<vmem>>, vector<16xf32>,
    %get3A_22 = arith.constant 144 : index
    %get3A_23 = tpu.vector_load %arg10[%get3A_22] {strides = array<i32>} : memref<192xf32, #tpu.memory_space<vmem>>, vector<16xf32>,
    %get3A_24 = arith.constant 160 : index
    %get3A_25 = tpu.vector_load %arg10[%get3A_24] {strides = array<i32>} : memref<192xf32, #tpu.memory_space<vmem>>, vector<16xf32>,
    %get3A_26 = arith.constant 176 : index
    %get3A_27 = tpu.vector_load %arg10[%get3A_26] {strides = array<i32>} : memref<192xf32, #tpu.memory_space<vmem>>, vector<16xf32>,
    %get3A_28 = arith.constant 0 : index
    %get3A_29 = tpu.vector_load %arg11[%get3A_28] {strides = array<i32>} : memref<48xf32, #tpu.memory_space<vmem>>, vector<16xf32>,
    %get3A_30 = arith.constant 16 : index
    %get3A_31 = tpu.vector_load %arg11[%get3A_30] {strides = array<i32>} : memref<48xf32, #tpu.memory_space<vmem>>, vector<16xf32>,
    %get3A_32 = arith.constant 32 : index
    %get3A_33 = tpu.vector_load %arg11[%get3A_32] {strides = array<i32>} : memref<48xf32, #tpu.memory_space<vmem>>, vector<16xf32>,
    %broadcast_in_dim3A = arith.constant 0.000000e+00 : f32
    %broadcast_in_dim3A_34 = vector.broadcast %broadcast_in_dim3A : f32 to vector<16xf32>
    %iota3A = tpu.iota {dimensions = array<i32: 0>} : vector<16xi32>
    %dma_start3A = arith.constant 0 : i32
    %dma_start3A_35 = arith.constant 0 : i32
    %dma_start3A_36 = tpu.memref_slice %arg8[%dma_start3A, %dma_start3A_35] : memref<200x64xf32, #tpu.memory_space<vmem>> -> memref<128x64xf32, #tpu.memory_space<vmem>>
    %dma_start3A_37 = arith.constant 0 : i32
    %dma_start3A_38 = tpu.memref_slice %arg7[%dma_start3A_37] : memref<25600xi32, #tpu.memory_space<vmem>> -> memref<128xi32, #tpu.memory_space<vmem>>
    %dma_start3A_39 = arith.constant 0 : i32
    %dma_start3A_40 = arith.constant 0 : i32
    %dma_start3A_41 = tpu.memref_slice %arg3[%dma_start3A_39, %dma_start3A_40] : memref<1000000x64xf32, #tpu.memory_space<hbm>> -> memref<1000000x64xf32, #tpu.memory_space<hbm>>
    tpu.enqueue_indirect_dma source(%dma_start3A_41 : memref<1000000x64xf32, #tpu.memory_space<hbm>>) target(%dma_start3A_36 : memref<128x64xf32, #tpu.memory_space<vmem>>) offsets(%dma_start3A_38 : memref<128xi32, #tpu.memory_space<vmem>>) semaphore(%arg13 : memref<!tpu.dma_semaphore, #tpu.memory_space<semaphore_mem>>)
    %dma_start3A_42 = arith.constant 128 : i32
    %dma_start3A_43 = arith.constant 0 : i32
    %dma_start3A_44 = tpu.memref_slice %arg8[%dma_start3A_42, %dma_start3A_43] : memref<200x64xf32, #tpu.memory_space<vmem>> -> memref<72x64xf32, #tpu.memory_space<vmem>>
    %dma_start3A_45 = arith.constant 128 : i32
    %dma_start3A_46 = tpu.memref_slice %arg7[%dma_start3A_45] : memref<25600xi32, #tpu.memory_space<vmem>> -> memref<72xi32, #tpu.memory_space<vmem>>
    %dma_start3A_47 = arith.constant 0 : i32
    %dma_start3A_48 = arith.constant 0 : i32
    %dma_start3A_49 = tpu.memref_slice %arg3[%dma_start3A_47, %dma_start3A_48] : memref<1000000x64xf32, #tpu.memory_space<hbm>> -> memref<1000000x64xf32, #tpu.memory_space<hbm>>
    tpu.enqueue_indirect_dma source(%dma_start3A_49 : memref<1000000x64xf32, #tpu.memory_space<hbm>>) target(%dma_start3A_44 : memref<72x64xf32, #tpu.memory_space<vmem>>) offsets(%dma_start3A_46 : memref<72xi32, #tpu.memory_space<vmem>>) semaphore(%arg13 : memref<!tpu.dma_semaphore, #tpu.memory_space<semaphore_mem>>)
    %dma_start3A_50 = arith.constant 0 : i32
    %dma_start3A_51 = arith.constant 0 : i32
    %dma_start3A_52 = tpu.memref_slice %arg9[%dma_start3A_50, %dma_start3A_51] : memref<200x64xf32, #tpu.memory_space<vmem>> -> memref<128x64xf32, #tpu.memory_space<vmem>>
    %dma_start3A_53 = arith.constant 200 : i32
    %dma_start3A_54 = tpu.memref_slice %arg7[%dma_start3A_53] : memref<25600xi32, #tpu.memory_space<vmem>> -> memref<128xi32, #tpu.memory_space<vmem>>
    %dma_start3A_55 = arith.constant 0 : i32
    %dma_start3A_56 = arith.constant 0 : i32
    %dma_start3A_57 = tpu.memref_slice %arg3[%dma_start3A_55, %dma_start3A_56] : memref<1000000x64xf32, #tpu.memory_space<hbm>> -> memref<1000000x64xf32, #tpu.memory_space<hbm>>
    tpu.enqueue_indirect_dma source(%dma_start3A_57 : memref<1000000x64xf32, #tpu.memory_space<hbm>>) target(%dma_start3A_52 : memref<128x64xf32, #tpu.memory_space<vmem>>) offsets(%dma_start3A_54 : memref<128xi32, #tpu.memory_space<vmem>>) semaphore(%arg14 : memref<!tpu.dma_semaphore, #tpu.memory_space<semaphore_mem>>)
    %dma_start3A_58 = arith.constant 128 : i32
    %dma_start3A_59 = arith.constant 0 : i32
    %dma_start3A_60 = tpu.memref_slice %arg9[%dma_start3A_58, %dma_start3A_59] : memref<200x64xf32, #tpu.memory_space<vmem>> -> memref<72x64xf32, #tpu.memory_space<vmem>>
    %dma_start3A_61 = arith.constant 328 : i32
    %dma_start3A_62 = tpu.memref_slice %arg7[%dma_start3A_61] : memref<25600xi32, #tpu.memory_space<vmem>> -> memref<72xi32, #tpu.memory_space<vmem>>
    %dma_start3A_63 = arith.constant 0 : i32
    %dma_start3A_64 = arith.constant 0 : i32
    %dma_start3A_65 = tpu.memref_slice %arg3[%dma_start3A_63, %dma_start3A_64] : memref<1000000x64xf32, #tpu.memory_space<hbm>> -> memref<1000000x64xf32, #tpu.memory_space<hbm>>
    tpu.enqueue_indirect_dma source(%dma_start3A_65 : memref<1000000x64xf32, #tpu.memory_space<hbm>>) target(%dma_start3A_60 : memref<72x64xf32, #tpu.memory_space<vmem>>) offsets(%dma_start3A_62 : memref<72xi32, #tpu.memory_space<vmem>>) semaphore(%arg14 : memref<!tpu.dma_semaphore, #tpu.memory_space<semaphore_mem>>)
    %scan3A = arith.constant 0 : i32
    %scan3A_66 = arith.constant 0 : i32
    %scan3A_67 = arith.constant 64 : i32
    %scan3A_68 = arith.addi %scan3A_66, %scan3A_67 : i32
    %scan3A_69 = arith.constant 1 : i32
    scf.for %scan3A_73 = %scan3A_66 to %scan3A_68 step %scan3A_69  : i32 {
      %mul3A_74 = arith.constant 2 : i32
      %mul3A_75 = arith.muli %mul3A_74, %scan3A_73 : i32
      %dma_wait3A = arith.constant 0 : i32
      %dma_wait3A_76 = arith.constant 0 : i32
      %dma_wait3A_77 = tpu.memref_slice %arg3[%dma_wait3A, %dma_wait3A_76] : memref<1000000x64xf32, #tpu.memory_space<hbm>> -> memref<200x64xf32, #tpu.memory_space<hbm>>
      %dma_wait3A_78 = arith.constant 0 : i32
      %dma_wait3A_79 = arith.constant 0 : i32
      %dma_wait3A_80 = tpu.memref_slice %arg3[%dma_wait3A_78, %dma_wait3A_79] : memref<1000000x64xf32, #tpu.memory_space<hbm>> -> memref<200x64xf32, #tpu.memory_space<hbm>>
      tpu.wait_dma2 semaphore(%arg13 : memref<!tpu.dma_semaphore, #tpu.memory_space<semaphore_mem>>) src(%dma_wait3A_80 : memref<200x64xf32, #tpu.memory_space<hbm>>) dst(%arg8 : memref<200x64xf32, #tpu.memory_space<vmem>>)
      %scan3A_81 = arith.constant 0 : i32
      %scan3A_82 = arith.constant 200 : i32
      %scan3A_83 = arith.addi %scan3A_81, %scan3A_82 : i32
      %scan3A_84 = arith.constant 8 : i32
      %scan3A_85:4 = scf.for %scan3A_220 = %scan3A_81 to %scan3A_83 step %scan3A_84 iter_args(%scan3A_221 = %broadcast_in_dim3A_34, %scan3A_222 = %broadcast_in_dim3A_34, %scan3A_223 = %broadcast_in_dim3A_34, %scan3A_224 = %broadcast_in_dim3A_34) -> (vector<16xf32>, vector<16xf32>, vector<16xf32>, vector<16xf32>)  : i32 {
        %get3A_225 = arith.index_cast %scan3A_220 : i32 to index
        %get3A_226 = arith.constant 0 : index
        %get3A_227 = tpu.vector_load %arg8[%get3A_225, %get3A_226] {strides = array<i32>} : memref<200x64xf32, #tpu.memory_space<vmem>>, vector<16xf32>,
        %add3A_228 = arith.addf %scan3A_221, %get3A_227 : vector<16xf32>
        %get3A_229 = arith.index_cast %scan3A_220 : i32 to index
        %get3A_230 = arith.constant 16 : index
        %get3A_231 = tpu.vector_load %arg8[%get3A_229, %get3A_230] {strides = array<i32>} : memref<200x64xf32, #tpu.memory_space<vmem>>, vector<16xf32>,
        %add3A_232 = arith.addf %scan3A_222, %get3A_231 : vector<16xf32>
        %get3A_233 = arith.index_cast %scan3A_220 : i32 to index
        %get3A_234 = arith.constant 32 : index
        %get3A_235 = tpu.vector_load %arg8[%get3A_233, %get3A_234] {strides = array<i32>} : memref<200x64xf32, #tpu.memory_space<vmem>>, vector<16xf32>,
        %add3A_236 = arith.addf %scan3A_223, %get3A_235 : vector<16xf32>
        %get3A_237 = arith.index_cast %scan3A_220 : i32 to index
        %get3A_238 = arith.constant 48 : index
        %get3A_239 = tpu.vector_load %arg8[%get3A_237, %get3A_238] {strides = array<i32>} : memref<200x64xf32, #tpu.memory_space<vmem>>, vector<16xf32>,
        %add3A_240 = arith.addf %scan3A_224, %get3A_239 : vector<16xf32>
        %scan3A_241 = arith.constant 1 : i32
        %scan3A_242 = arith.addi %scan3A_220, %scan3A_241 : i32
        %get3A_243 = arith.index_cast %scan3A_242 : i32 to index
        %get3A_244 = arith.constant 0 : index
        %get3A_245 = tpu.vector_load %arg8[%get3A_243, %get3A_244] {strides = array<i32>} : memref<200x64xf32, #tpu.memory_space<vmem>>, vector<16xf32>,
        %add3A_246 = arith.addf %add3A_228, %get3A_245 : vector<16xf32>
        %get3A_247 = arith.index_cast %scan3A_242 : i32 to index
        %get3A_248 = arith.constant 16 : index
        %get3A_249 = tpu.vector_load %arg8[%get3A_247, %get3A_248] {strides = array<i32>} : memref<200x64xf32, #tpu.memory_space<vmem>>, vector<16xf32>,
        %add3A_250 = arith.addf %add3A_232, %get3A_249 : vector<16xf32>
        %get3A_251 = arith.index_cast %scan3A_242 : i32 to index
        %get3A_252 = arith.constant 32 : index
        %get3A_253 = tpu.vector_load %arg8[%get3A_251, %get3A_252] {strides = array<i32>} : memref<200x64xf32, #tpu.memory_space<vmem>>, vector<16xf32>,
        %add3A_254 = arith.addf %add3A_236, %get3A_253 : vector<16xf32>
        %get3A_255 = arith.index_cast %scan3A_242 : i32 to index
        %get3A_256 = arith.constant 48 : index
        %get3A_257 = tpu.vector_load %arg8[%get3A_255, %get3A_256] {strides = array<i32>} : memref<200x64xf32, #tpu.memory_space<vmem>>, vector<16xf32>,
        %add3A_258 = arith.addf %add3A_240, %get3A_257 : vector<16xf32>
        %scan3A_259 = arith.constant 2 : i32
        %scan3A_260 = arith.addi %scan3A_220, %scan3A_259 : i32
        %get3A_261 = arith.index_cast %scan3A_260 : i32 to index
        %get3A_262 = arith.constant 0 : index
        %get3A_263 = tpu.vector_load %arg8[%get3A_261, %get3A_262] {strides = array<i32>} : memref<200x64xf32, #tpu.memory_space<vmem>>, vector<16xf32>,
        %add3A_264 = arith.addf %add3A_246, %get3A_263 : vector<16xf32>
        %get3A_265 = arith.index_cast %scan3A_260 : i32 to index
        %get3A_266 = arith.constant 16 : index
        %get3A_267 = tpu.vector_load %arg8[%get3A_265, %get3A_266] {strides = array<i32>} : memref<200x64xf32, #tpu.memory_space<vmem>>, vector<16xf32>,
        %add3A_268 = arith.addf %add3A_250, %get3A_267 : vector<16xf32>
        %get3A_269 = arith.index_cast %scan3A_260 : i32 to index
        %get3A_270 = arith.constant 32 : index
        %get3A_271 = tpu.vector_load %arg8[%get3A_269, %get3A_270] {strides = array<i32>} : memref<200x64xf32, #tpu.memory_space<vmem>>, vector<16xf32>,
        %add3A_272 = arith.addf %add3A_254, %get3A_271 : vector<16xf32>
        %get3A_273 = arith.index_cast %scan3A_260 : i32 to index
        %get3A_274 = arith.constant 48 : index
        %get3A_275 = tpu.vector_load %arg8[%get3A_273, %get3A_274] {strides = array<i32>} : memref<200x64xf32, #tpu.memory_space<vmem>>, vector<16xf32>,
        %add3A_276 = arith.addf %add3A_258, %get3A_275 : vector<16xf32>
        %scan3A_277 = arith.constant 3 : i32
        %scan3A_278 = arith.addi %scan3A_220, %scan3A_277 : i32
        %get3A_279 = arith.index_cast %scan3A_278 : i32 to index
        %get3A_280 = arith.constant 0 : index
        %get3A_281 = tpu.vector_load %arg8[%get3A_279, %get3A_280] {strides = array<i32>} : memref<200x64xf32, #tpu.memory_space<vmem>>, vector<16xf32>,
        %add3A_282 = arith.addf %add3A_264, %get3A_281 : vector<16xf32>
        %get3A_283 = arith.index_cast %scan3A_278 : i32 to index
        %get3A_284 = arith.constant 16 : index
        %get3A_285 = tpu.vector_load %arg8[%get3A_283, %get3A_284] {strides = array<i32>} : memref<200x64xf32, #tpu.memory_space<vmem>>, vector<16xf32>,
        %add3A_286 = arith.addf %add3A_268, %get3A_285 : vector<16xf32>
        %get3A_287 = arith.index_cast %scan3A_278 : i32 to index
        %get3A_288 = arith.constant 32 : index
        %get3A_289 = tpu.vector_load %arg8[%get3A_287, %get3A_288] {strides = array<i32>} : memref<200x64xf32, #tpu.memory_space<vmem>>, vector<16xf32>,
        %add3A_290 = arith.addf %add3A_272, %get3A_289 : vector<16xf32>
        %get3A_291 = arith.index_cast %scan3A_278 : i32 to index
        %get3A_292 = arith.constant 48 : index
        %get3A_293 = tpu.vector_load %arg8[%get3A_291, %get3A_292] {strides = array<i32>} : memref<200x64xf32, #tpu.memory_space<vmem>>, vector<16xf32>,
        %add3A_294 = arith.addf %add3A_276, %get3A_293 : vector<16xf32>
        %scan3A_295 = arith.constant 4 : i32
        %scan3A_296 = arith.addi %scan3A_220, %scan3A_295 : i32
        %get3A_297 = arith.index_cast %scan3A_296 : i32 to index
        %get3A_298 = arith.constant 0 : index
        %get3A_299 = tpu.vector_load %arg8[%get3A_297, %get3A_298] {strides = array<i32>} : memref<200x64xf32, #tpu.memory_space<vmem>>, vector<16xf32>,
        %add3A_300 = arith.addf %add3A_282, %get3A_299 : vector<16xf32>
        %get3A_301 = arith.index_cast %scan3A_296 : i32 to index
        %get3A_302 = arith.constant 16 : index
        %get3A_303 = tpu.vector_load %arg8[%get3A_301, %get3A_302] {strides = array<i32>} : memref<200x64xf32, #tpu.memory_space<vmem>>, vector<16xf32>,
        %add3A_304 = arith.addf %add3A_286, %get3A_303 : vector<16xf32>
        %get3A_305 = arith.index_cast %scan3A_296 : i32 to index
        %get3A_306 = arith.constant 32 : index
        %get3A_307 = tpu.vector_load %arg8[%get3A_305, %get3A_306] {strides = array<i32>} : memref<200x64xf32, #tpu.memory_space<vmem>>, vector<16xf32>,
        %add3A_308 = arith.addf %add3A_290, %get3A_307 : vector<16xf32>
        %get3A_309 = arith.index_cast %scan3A_296 : i32 to index
        %get3A_310 = arith.constant 48 : index
        %get3A_311 = tpu.vector_load %arg8[%get3A_309, %get3A_310] {strides = array<i32>} : memref<200x64xf32, #tpu.memory_space<vmem>>, vector<16xf32>,
        %add3A_312 = arith.addf %add3A_294, %get3A_311 : vector<16xf32>
        %scan3A_313 = arith.constant 5 : i32
        %scan3A_314 = arith.addi %scan3A_220, %scan3A_313 : i32
        %get3A_315 = arith.index_cast %scan3A_314 : i32 to index
        %get3A_316 = arith.constant 0 : index
        %get3A_317 = tpu.vector_load %arg8[%get3A_315, %get3A_316] {strides = array<i32>} : memref<200x64xf32, #tpu.memory_space<vmem>>, vector<16xf32>,
        %add3A_318 = arith.addf %add3A_300, %get3A_317 : vector<16xf32>
        %get3A_319 = arith.index_cast %scan3A_314 : i32 to index
        %get3A_320 = arith.constant 16 : index
        %get3A_321 = tpu.vector_load %arg8[%get3A_319, %get3A_320] {strides = array<i32>} : memref<200x64xf32, #tpu.memory_space<vmem>>, vector<16xf32>,
        %add3A_322 = arith.addf %add3A_304, %get3A_321 : vector<16xf32>
        %get3A_323 = arith.index_cast %scan3A_314 : i32 to index
        %get3A_324 = arith.constant 32 : index
        %get3A_325 = tpu.vector_load %arg8[%get3A_323, %get3A_324] {strides = array<i32>} : memref<200x64xf32, #tpu.memory_space<vmem>>, vector<16xf32>,
        %add3A_326 = arith.addf %add3A_308, %get3A_325 : vector<16xf32>
        %get3A_327 = arith.index_cast %scan3A_314 : i32 to index
        %get3A_328 = arith.constant 48 : index
        %get3A_329 = tpu.vector_load %arg8[%get3A_327, %get3A_328] {strides = array<i32>} : memref<200x64xf32, #tpu.memory_space<vmem>>, vector<16xf32>,
        %add3A_330 = arith.addf %add3A_312, %get3A_329 : vector<16xf32>
        %scan3A_331 = arith.constant 6 : i32
        %scan3A_332 = arith.addi %scan3A_220, %scan3A_331 : i32
        %get3A_333 = arith.index_cast %scan3A_332 : i32 to index
        %get3A_334 = arith.constant 0 : index
        %get3A_335 = tpu.vector_load %arg8[%get3A_333, %get3A_334] {strides = array<i32>} : memref<200x64xf32, #tpu.memory_space<vmem>>, vector<16xf32>,
        %add3A_336 = arith.addf %add3A_318, %get3A_335 : vector<16xf32>
        %get3A_337 = arith.index_cast %scan3A_332 : i32 to index
        %get3A_338 = arith.constant 16 : index
        %get3A_339 = tpu.vector_load %arg8[%get3A_337, %get3A_338] {strides = array<i32>} : memref<200x64xf32, #tpu.memory_space<vmem>>, vector<16xf32>,
        %add3A_340 = arith.addf %add3A_322, %get3A_339 : vector<16xf32>
        %get3A_341 = arith.index_cast %scan3A_332 : i32 to index
        %get3A_342 = arith.constant 32 : index
        %get3A_343 = tpu.vector_load %arg8[%get3A_341, %get3A_342] {strides = array<i32>} : memref<200x64xf32, #tpu.memory_space<vmem>>, vector<16xf32>,
        %add3A_344 = arith.addf %add3A_326, %get3A_343 : vector<16xf32>
        %get3A_345 = arith.index_cast %scan3A_332 : i32 to index
        %get3A_346 = arith.constant 48 : index
        %get3A_347 = tpu.vector_load %arg8[%get3A_345, %get3A_346] {strides = array<i32>} : memref<200x64xf32, #tpu.memory_space<vmem>>, vector<16xf32>,
        %add3A_348 = arith.addf %add3A_330, %get3A_347 : vector<16xf32>
        %scan3A_349 = arith.constant 7 : i32
        %scan3A_350 = arith.addi %scan3A_220, %scan3A_349 : i32
        %get3A_351 = arith.index_cast %scan3A_350 : i32 to index
        %get3A_352 = arith.constant 0 : index
        %get3A_353 = tpu.vector_load %arg8[%get3A_351, %get3A_352] {strides = array<i32>} : memref<200x64xf32, #tpu.memory_space<vmem>>, vector<16xf32>,
        %add3A_354 = arith.addf %add3A_336, %get3A_353 : vector<16xf32>
        %get3A_355 = arith.index_cast %scan3A_350 : i32 to index
        %get3A_356 = arith.constant 16 : index
        %get3A_357 = tpu.vector_load %arg8[%get3A_355, %get3A_356] {strides = array<i32>} : memref<200x64xf32, #tpu.memory_space<vmem>>, vector<16xf32>,
        %add3A_358 = arith.addf %add3A_340, %get3A_357 : vector<16xf32>
        %get3A_359 = arith.index_cast %scan3A_350 : i32 to index
        %get3A_360 = arith.constant 32 : index
        %get3A_361 = tpu.vector_load %arg8[%get3A_359, %get3A_360] {strides = array<i32>} : memref<200x64xf32, #tpu.memory_space<vmem>>, vector<16xf32>,
        %add3A_362 = arith.addf %add3A_344, %get3A_361 : vector<16xf32>
        %get3A_363 = arith.index_cast %scan3A_350 : i32 to index
        %get3A_364 = arith.constant 48 : index
        %get3A_365 = tpu.vector_load %arg8[%get3A_363, %get3A_364] {strides = array<i32>} : memref<200x64xf32, #tpu.memory_space<vmem>>, vector<16xf32>,
        %add3A_366 = arith.addf %add3A_348, %get3A_365 : vector<16xf32>
        scf.yield %add3A_354, %add3A_358, %add3A_362, %add3A_366 : vector<16xf32>, vector<16xf32>, vector<16xf32>, vector<16xf32>
      }
      %scan3A_86 = arith.constant 200 : i32
      %add3A_87 = arith.constant 2 : i32
      %add3A_88 = arith.addi %mul3A_75, %add3A_87 : i32
      %lt3A = arith.constant 128 : i32
      %lt3A_89 = arith.cmpi slt, %add3A_88, %lt3A : i32
      %convert_element_type3A = arith.extui %lt3A_89 : i1 to i32
      %cond3A = arith.constant 0 : i32
      %cond3A_90 = arith.cmpi ne, %convert_element_type3A, %cond3A : i32
      scf.if %cond3A_90 {
        %mul3A_220 = arith.constant 200 : i32
        %mul3A_221 = arith.muli %add3A_88, %mul3A_220 : i32
        %dma_start3A_222 = arith.constant 0 : i32
        %dma_start3A_223 = arith.constant 0 : i32
        %dma_start3A_224 = tpu.memref_slice %arg8[%dma_start3A_222, %dma_start3A_223] : memref<200x64xf32, #tpu.memory_space<vmem>> -> memref<128x64xf32, #tpu.memory_space<vmem>>
        %dma_start3A_225 = tpu.memref_slice %arg7[%mul3A_221] : memref<25600xi32, #tpu.memory_space<vmem>> -> memref<128xi32, #tpu.memory_space<vmem>>
        %dma_start3A_226 = arith.constant 0 : i32
        %dma_start3A_227 = arith.constant 0 : i32
        %dma_start3A_228 = tpu.memref_slice %arg3[%dma_start3A_226, %dma_start3A_227] : memref<1000000x64xf32, #tpu.memory_space<hbm>> -> memref<1000000x64xf32, #tpu.memory_space<hbm>>
        tpu.enqueue_indirect_dma source(%dma_start3A_228 : memref<1000000x64xf32, #tpu.memory_space<hbm>>) target(%dma_start3A_224 : memref<128x64xf32, #tpu.memory_space<vmem>>) offsets(%dma_start3A_225 : memref<128xi32, #tpu.memory_space<vmem>>) semaphore(%arg13 : memref<!tpu.dma_semaphore, #tpu.memory_space<semaphore_mem>>)
        %mul3A_229 = arith.constant 200 : i32
        %mul3A_230 = arith.muli %add3A_88, %mul3A_229 : i32
        %add3A_231 = arith.constant 128 : i32
        %add3A_232 = arith.addi %mul3A_230, %add3A_231 : i32
        %dma_start3A_233 = arith.constant 128 : i32
        %dma_start3A_234 = arith.constant 0 : i32
        %dma_start3A_235 = tpu.memref_slice %arg8[%dma_start3A_233, %dma_start3A_234] : memref<200x64xf32, #tpu.memory_space<vmem>> -> memref<72x64xf32, #tpu.memory_space<vmem>>
        %dma_start3A_236 = tpu.memref_slice %arg7[%add3A_232] : memref<25600xi32, #tpu.memory_space<vmem>> -> memref<72xi32, #tpu.memory_space<vmem>>
        %dma_start3A_237 = arith.constant 0 : i32
        %dma_start3A_238 = arith.constant 0 : i32
        %dma_start3A_239 = tpu.memref_slice %arg3[%dma_start3A_237, %dma_start3A_238] : memref<1000000x64xf32, #tpu.memory_space<hbm>> -> memref<1000000x64xf32, #tpu.memory_space<hbm>>
        tpu.enqueue_indirect_dma source(%dma_start3A_239 : memref<1000000x64xf32, #tpu.memory_space<hbm>>) target(%dma_start3A_235 : memref<72x64xf32, #tpu.memory_space<vmem>>) offsets(%dma_start3A_236 : memref<72xi32, #tpu.memory_space<vmem>>) semaphore(%arg13 : memref<!tpu.dma_semaphore, #tpu.memory_space<semaphore_mem>>)
      } else {
      }
      %mul3A_91 = arith.mulf %scan3A_85#0, %get3A_5 : vector<16xf32>
      %add3A_92 = arith.addf %get3A_29, %mul3A_91 : vector<16xf32>
      %mul3A_93 = arith.mulf %scan3A_85#1, %get3A_7 : vector<16xf32>
      %add3A_94 = arith.addf %add3A_92, %mul3A_93 : vector<16xf32>
      %mul3A_95 = arith.mulf %scan3A_85#2, %get3A_9 : vector<16xf32>
      %add3A_96 = arith.addf %add3A_94, %mul3A_95 : vector<16xf32>
      %mul3A_97 = arith.mulf %scan3A_85#3, %get3A_11 : vector<16xf32>
      %add3A_98 = arith.addf %add3A_96, %mul3A_97 : vector<16xf32>
      %eq3A = arith.constant 0 : i32
      %eq3A_99 = vector.broadcast %eq3A : i32 to vector<16xi32>
      %eq3A_100 = arith.cmpi eq, %iota3A, %eq3A_99 : vector<16xi32>
      %reduce_sum3A = arith.constant true
      %reduce_sum3A_101 = vector.broadcast %reduce_sum3A : i1 to vector<16xi1>
      %reduce_sum3A_102 = tpu.scan <sum>, %add3A_98 masked %reduce_sum3A_101 : vector<16xf32>, vector<16xi1> -> vector<16xf32>
      %reduce_sum3A_103 = vector.extract %reduce_sum3A_102[15] : f32 from vector<16xf32>
      %broadcast_in_dim3A_104 = vector.broadcast %reduce_sum3A_103 : f32 to vector<16xf32>
      %select_n3A = arith.select %eq3A_100, %broadcast_in_dim3A_104, %broadcast_in_dim3A_34 : vector<16xi1>, vector<16xf32>
      %mul3A_105 = arith.mulf %scan3A_85#0, %get3A_13 : vector<16xf32>
      %add3A_106 = arith.addf %get3A_31, %mul3A_105 : vector<16xf32>
      %mul3A_107 = arith.mulf %scan3A_85#1, %get3A_15 : vector<16xf32>
      %add3A_108 = arith.addf %add3A_106, %mul3A_107 : vector<16xf32>
      %mul3A_109 = arith.mulf %scan3A_85#2, %get3A_17 : vector<16xf32>
      %add3A_110 = arith.addf %add3A_108, %mul3A_109 : vector<16xf32>
      %mul3A_111 = arith.mulf %scan3A_85#3, %get3A_19 : vector<16xf32>
      %add3A_112 = arith.addf %add3A_110, %mul3A_111 : vector<16xf32>
      %eq3A_113 = arith.constant 1 : i32
      %eq3A_114 = vector.broadcast %eq3A_113 : i32 to vector<16xi32>
      %eq3A_115 = arith.cmpi eq, %iota3A, %eq3A_114 : vector<16xi32>
      %reduce_sum3A_116 = arith.constant true
      %reduce_sum3A_117 = vector.broadcast %reduce_sum3A_116 : i1 to vector<16xi1>
      %reduce_sum3A_118 = tpu.scan <sum>, %add3A_112 masked %reduce_sum3A_117 : vector<16xf32>, vector<16xi1> -> vector<16xf32>
      %reduce_sum3A_119 = vector.extract %reduce_sum3A_118[15] : f32 from vector<16xf32>
      %broadcast_in_dim3A_120 = vector.broadcast %reduce_sum3A_119 : f32 to vector<16xf32>
      %select_n3A_121 = arith.select %eq3A_115, %broadcast_in_dim3A_120, %select_n3A : vector<16xi1>, vector<16xf32>
      %mul3A_122 = arith.mulf %scan3A_85#0, %get3A_21 : vector<16xf32>
      %add3A_123 = arith.addf %get3A_33, %mul3A_122 : vector<16xf32>
      %mul3A_124 = arith.mulf %scan3A_85#1, %get3A_23 : vector<16xf32>
      %add3A_125 = arith.addf %add3A_123, %mul3A_124 : vector<16xf32>
      %mul3A_126 = arith.mulf %scan3A_85#2, %get3A_25 : vector<16xf32>
      %add3A_127 = arith.addf %add3A_125, %mul3A_126 : vector<16xf32>
      %mul3A_128 = arith.mulf %scan3A_85#3, %get3A_27 : vector<16xf32>
      %add3A_129 = arith.addf %add3A_127, %mul3A_128 : vector<16xf32>
      %eq3A_130 = arith.constant 2 : i32
      %eq3A_131 = vector.broadcast %eq3A_130 : i32 to vector<16xi32>
      %eq3A_132 = arith.cmpi eq, %iota3A, %eq3A_131 : vector<16xi32>
      %reduce_sum3A_133 = arith.constant true
      %reduce_sum3A_134 = vector.broadcast %reduce_sum3A_133 : i1 to vector<16xi1>
      %reduce_sum3A_135 = tpu.scan <sum>, %add3A_129 masked %reduce_sum3A_134 : vector<16xf32>, vector<16xi1> -> vector<16xf32>
      %reduce_sum3A_136 = vector.extract %reduce_sum3A_135[15] : f32 from vector<16xf32>
      %broadcast_in_dim3A_137 = vector.broadcast %reduce_sum3A_136 : f32 to vector<16xf32>
      %select_n3A_138 = arith.select %eq3A_132, %broadcast_in_dim3A_137, %select_n3A_121 : vector<16xi1>, vector<16xf32>
      %mul3A_139 = arith.constant 16 : i32
      %mul3A_140 = arith.muli %mul3A_75, %mul3A_139 : i32
      %swap3A = arith.index_cast %mul3A_140 : i32 to index
      %swap3A_141 = tpu.vector_load %arg12[%swap3A] {strides = array<i32>} : memref<2048xf32, #tpu.memory_space<vmem>>, vector<16xf32>,
      tpu.vector_store %arg12[%swap3A], %select_n3A_138 {strides = array<i32>} : memref<2048xf32, #tpu.memory_space<vmem>>, vector<16xf32>,
      %mul3A_142 = arith.constant 2 : i32
      %mul3A_143 = arith.muli %mul3A_142, %scan3A_73 : i32
      %add3A_144 = arith.constant 1 : i32
      %add3A_145 = arith.addi %mul3A_143, %add3A_144 : i32
      %dma_wait3A_146 = arith.constant 0 : i32
      %dma_wait3A_147 = arith.constant 0 : i32
      %dma_wait3A_148 = tpu.memref_slice %arg3[%dma_wait3A_146, %dma_wait3A_147] : memref<1000000x64xf32, #tpu.memory_space<hbm>> -> memref<200x64xf32, #tpu.memory_space<hbm>>
      %dma_wait3A_149 = arith.constant 0 : i32
      %dma_wait3A_150 = arith.constant 0 : i32
      %dma_wait3A_151 = tpu.memref_slice %arg3[%dma_wait3A_149, %dma_wait3A_150] : memref<1000000x64xf32, #tpu.memory_space<hbm>> -> memref<200x64xf32, #tpu.memory_space<hbm>>
      tpu.wait_dma2 semaphore(%arg14 : memref<!tpu.dma_semaphore, #tpu.memory_space<semaphore_mem>>) src(%dma_wait3A_151 : memref<200x64xf32, #tpu.memory_space<hbm>>) dst(%arg9 : memref<200x64xf32, #tpu.memory_space<vmem>>)
      %scan3A_152 = arith.constant 0 : i32
      %scan3A_153 = arith.constant 200 : i32
      %scan3A_154 = arith.addi %scan3A_152, %scan3A_153 : i32
      %scan3A_155 = arith.constant 8 : i32
      %scan3A_156:4 = scf.for %scan3A_220 = %scan3A_152 to %scan3A_154 step %scan3A_155 iter_args(%scan3A_221 = %broadcast_in_dim3A_34, %scan3A_222 = %broadcast_in_dim3A_34, %scan3A_223 = %broadcast_in_dim3A_34, %scan3A_224 = %broadcast_in_dim3A_34) -> (vector<16xf32>, vector<16xf32>, vector<16xf32>, vector<16xf32>)  : i32 {
        %get3A_225 = arith.index_cast %scan3A_220 : i32 to index
        %get3A_226 = arith.constant 0 : index
        %get3A_227 = tpu.vector_load %arg9[%get3A_225, %get3A_226] {strides = array<i32>} : memref<200x64xf32, #tpu.memory_space<vmem>>, vector<16xf32>,
        %add3A_228 = arith.addf %scan3A_221, %get3A_227 : vector<16xf32>
        %get3A_229 = arith.index_cast %scan3A_220 : i32 to index
        %get3A_230 = arith.constant 16 : index
        %get3A_231 = tpu.vector_load %arg9[%get3A_229, %get3A_230] {strides = array<i32>} : memref<200x64xf32, #tpu.memory_space<vmem>>, vector<16xf32>,
        %add3A_232 = arith.addf %scan3A_222, %get3A_231 : vector<16xf32>
        %get3A_233 = arith.index_cast %scan3A_220 : i32 to index
        %get3A_234 = arith.constant 32 : index
        %get3A_235 = tpu.vector_load %arg9[%get3A_233, %get3A_234] {strides = array<i32>} : memref<200x64xf32, #tpu.memory_space<vmem>>, vector<16xf32>,
        %add3A_236 = arith.addf %scan3A_223, %get3A_235 : vector<16xf32>
        %get3A_237 = arith.index_cast %scan3A_220 : i32 to index
        %get3A_238 = arith.constant 48 : index
        %get3A_239 = tpu.vector_load %arg9[%get3A_237, %get3A_238] {strides = array<i32>} : memref<200x64xf32, #tpu.memory_space<vmem>>, vector<16xf32>,
        %add3A_240 = arith.addf %scan3A_224, %get3A_239 : vector<16xf32>
        %scan3A_241 = arith.constant 1 : i32
        %scan3A_242 = arith.addi %scan3A_220, %scan3A_241 : i32
        %get3A_243 = arith.index_cast %scan3A_242 : i32 to index
        %get3A_244 = arith.constant 0 : index
        %get3A_245 = tpu.vector_load %arg9[%get3A_243, %get3A_244] {strides = array<i32>} : memref<200x64xf32, #tpu.memory_space<vmem>>, vector<16xf32>,
        %add3A_246 = arith.addf %add3A_228, %get3A_245 : vector<16xf32>
        %get3A_247 = arith.index_cast %scan3A_242 : i32 to index
        %get3A_248 = arith.constant 16 : index
        %get3A_249 = tpu.vector_load %arg9[%get3A_247, %get3A_248] {strides = array<i32>} : memref<200x64xf32, #tpu.memory_space<vmem>>, vector<16xf32>,
        %add3A_250 = arith.addf %add3A_232, %get3A_249 : vector<16xf32>
        %get3A_251 = arith.index_cast %scan3A_242 : i32 to index
        %get3A_252 = arith.constant 32 : index
        %get3A_253 = tpu.vector_load %arg9[%get3A_251, %get3A_252] {strides = array<i32>} : memref<200x64xf32, #tpu.memory_space<vmem>>, vector<16xf32>,
        %add3A_254 = arith.addf %add3A_236, %get3A_253 : vector<16xf32>
        %get3A_255 = arith.index_cast %scan3A_242 : i32 to index
        %get3A_256 = arith.constant 48 : index
        %get3A_257 = tpu.vector_load %arg9[%get3A_255, %get3A_256] {strides = array<i32>} : memref<200x64xf32, #tpu.memory_space<vmem>>, vector<16xf32>,
        %add3A_258 = arith.addf %add3A_240, %get3A_257 : vector<16xf32>
        %scan3A_259 = arith.constant 2 : i32
        %scan3A_260 = arith.addi %scan3A_220, %scan3A_259 : i32
        %get3A_261 = arith.index_cast %scan3A_260 : i32 to index
        %get3A_262 = arith.constant 0 : index
        %get3A_263 = tpu.vector_load %arg9[%get3A_261, %get3A_262] {strides = array<i32>} : memref<200x64xf32, #tpu.memory_space<vmem>>, vector<16xf32>,
        %add3A_264 = arith.addf %add3A_246, %get3A_263 : vector<16xf32>
        %get3A_265 = arith.index_cast %scan3A_260 : i32 to index
        %get3A_266 = arith.constant 16 : index
        %get3A_267 = tpu.vector_load %arg9[%get3A_265, %get3A_266] {strides = array<i32>} : memref<200x64xf32, #tpu.memory_space<vmem>>, vector<16xf32>,
        %add3A_268 = arith.addf %add3A_250, %get3A_267 : vector<16xf32>
        %get3A_269 = arith.index_cast %scan3A_260 : i32 to index
        %get3A_270 = arith.constant 32 : index
        %get3A_271 = tpu.vector_load %arg9[%get3A_269, %get3A_270] {strides = array<i32>} : memref<200x64xf32, #tpu.memory_space<vmem>>, vector<16xf32>,
        %add3A_272 = arith.addf %add3A_254, %get3A_271 : vector<16xf32>
        %get3A_273 = arith.index_cast %scan3A_260 : i32 to index
        %get3A_274 = arith.constant 48 : index
        %get3A_275 = tpu.vector_load %arg9[%get3A_273, %get3A_274] {strides = array<i32>} : memref<200x64xf32, #tpu.memory_space<vmem>>, vector<16xf32>,
        %add3A_276 = arith.addf %add3A_258, %get3A_275 : vector<16xf32>
        %scan3A_277 = arith.constant 3 : i32
        %scan3A_278 = arith.addi %scan3A_220, %scan3A_277 : i32
        %get3A_279 = arith.index_cast %scan3A_278 : i32 to index
        %get3A_280 = arith.constant 0 : index
        %get3A_281 = tpu.vector_load %arg9[%get3A_279, %get3A_280] {strides = array<i32>} : memref<200x64xf32, #tpu.memory_space<vmem>>, vector<16xf32>,
        %add3A_282 = arith.addf %add3A_264, %get3A_281 : vector<16xf32>
        %get3A_283 = arith.index_cast %scan3A_278 : i32 to index
        %get3A_284 = arith.constant 16 : index
        %get3A_285 = tpu.vector_load %arg9[%get3A_283, %get3A_284] {strides = array<i32>} : memref<200x64xf32, #tpu.memory_space<vmem>>, vector<16xf32>,
        %add3A_286 = arith.addf %add3A_268, %get3A_285 : vector<16xf32>
        %get3A_287 = arith.index_cast %scan3A_278 : i32 to index
        %get3A_288 = arith.constant 32 : index
        %get3A_289 = tpu.vector_load %arg9[%get3A_287, %get3A_288] {strides = array<i32>} : memref<200x64xf32, #tpu.memory_space<vmem>>, vector<16xf32>,
        %add3A_290 = arith.addf %add3A_272, %get3A_289 : vector<16xf32>
        %get3A_291 = arith.index_cast %scan3A_278 : i32 to index
        %get3A_292 = arith.constant 48 : index
        %get3A_293 = tpu.vector_load %arg9[%get3A_291, %get3A_292] {strides = array<i32>} : memref<200x64xf32, #tpu.memory_space<vmem>>, vector<16xf32>,
        %add3A_294 = arith.addf %add3A_276, %get3A_293 : vector<16xf32>
        %scan3A_295 = arith.constant 4 : i32
        %scan3A_296 = arith.addi %scan3A_220, %scan3A_295 : i32
        %get3A_297 = arith.index_cast %scan3A_296 : i32 to index
        %get3A_298 = arith.constant 0 : index
        %get3A_299 = tpu.vector_load %arg9[%get3A_297, %get3A_298] {strides = array<i32>} : memref<200x64xf32, #tpu.memory_space<vmem>>, vector<16xf32>,
        %add3A_300 = arith.addf %add3A_282, %get3A_299 : vector<16xf32>
        %get3A_301 = arith.index_cast %scan3A_296 : i32 to index
        %get3A_302 = arith.constant 16 : index
        %get3A_303 = tpu.vector_load %arg9[%get3A_301, %get3A_302] {strides = array<i32>} : memref<200x64xf32, #tpu.memory_space<vmem>>, vector<16xf32>,
        %add3A_304 = arith.addf %add3A_286, %get3A_303 : vector<16xf32>
        %get3A_305 = arith.index_cast %scan3A_296 : i32 to index
        %get3A_306 = arith.constant 32 : index
        %get3A_307 = tpu.vector_load %arg9[%get3A_305, %get3A_306] {strides = array<i32>} : memref<200x64xf32, #tpu.memory_space<vmem>>, vector<16xf32>,
        %add3A_308 = arith.addf %add3A_290, %get3A_307 : vector<16xf32>
        %get3A_309 = arith.index_cast %scan3A_296 : i32 to index
        %get3A_310 = arith.constant 48 : index
        %get3A_311 = tpu.vector_load %arg9[%get3A_309, %get3A_310] {strides = array<i32>} : memref<200x64xf32, #tpu.memory_space<vmem>>, vector<16xf32>,
        %add3A_312 = arith.addf %add3A_294, %get3A_311 : vector<16xf32>
        %scan3A_313 = arith.constant 5 : i32
        %scan3A_314 = arith.addi %scan3A_220, %scan3A_313 : i32
        %get3A_315 = arith.index_cast %scan3A_314 : i32 to index
        %get3A_316 = arith.constant 0 : index
        %get3A_317 = tpu.vector_load %arg9[%get3A_315, %get3A_316] {strides = array<i32>} : memref<200x64xf32, #tpu.memory_space<vmem>>, vector<16xf32>,
        %add3A_318 = arith.addf %add3A_300, %get3A_317 : vector<16xf32>
        %get3A_319 = arith.index_cast %scan3A_314 : i32 to index
        %get3A_320 = arith.constant 16 : index
        %get3A_321 = tpu.vector_load %arg9[%get3A_319, %get3A_320] {strides = array<i32>} : memref<200x64xf32, #tpu.memory_space<vmem>>, vector<16xf32>,
        %add3A_322 = arith.addf %add3A_304, %get3A_321 : vector<16xf32>
        %get3A_323 = arith.index_cast %scan3A_314 : i32 to index
        %get3A_324 = arith.constant 32 : index
        %get3A_325 = tpu.vector_load %arg9[%get3A_323, %get3A_324] {strides = array<i32>} : memref<200x64xf32, #tpu.memory_space<vmem>>, vector<16xf32>,
        %add3A_326 = arith.addf %add3A_308, %get3A_325 : vector<16xf32>
        %get3A_327 = arith.index_cast %scan3A_314 : i32 to index
        %get3A_328 = arith.constant 48 : index
        %get3A_329 = tpu.vector_load %arg9[%get3A_327, %get3A_328] {strides = array<i32>} : memref<200x64xf32, #tpu.memory_space<vmem>>, vector<16xf32>,
        %add3A_330 = arith.addf %add3A_312, %get3A_329 : vector<16xf32>
        %scan3A_331 = arith.constant 6 : i32
        %scan3A_332 = arith.addi %scan3A_220, %scan3A_331 : i32
        %get3A_333 = arith.index_cast %scan3A_332 : i32 to index
        %get3A_334 = arith.constant 0 : index
        %get3A_335 = tpu.vector_load %arg9[%get3A_333, %get3A_334] {strides = array<i32>} : memref<200x64xf32, #tpu.memory_space<vmem>>, vector<16xf32>,
        %add3A_336 = arith.addf %add3A_318, %get3A_335 : vector<16xf32>
        %get3A_337 = arith.index_cast %scan3A_332 : i32 to index
        %get3A_338 = arith.constant 16 : index
        %get3A_339 = tpu.vector_load %arg9[%get3A_337, %get3A_338] {strides = array<i32>} : memref<200x64xf32, #tpu.memory_space<vmem>>, vector<16xf32>,
        %add3A_340 = arith.addf %add3A_322, %get3A_339 : vector<16xf32>
        %get3A_341 = arith.index_cast %scan3A_332 : i32 to index
        %get3A_342 = arith.constant 32 : index
        %get3A_343 = tpu.vector_load %arg9[%get3A_341, %get3A_342] {strides = array<i32>} : memref<200x64xf32, #tpu.memory_space<vmem>>, vector<16xf32>,
        %add3A_344 = arith.addf %add3A_326, %get3A_343 : vector<16xf32>
        %get3A_345 = arith.index_cast %scan3A_332 : i32 to index
        %get3A_346 = arith.constant 48 : index
        %get3A_347 = tpu.vector_load %arg9[%get3A_345, %get3A_346] {strides = array<i32>} : memref<200x64xf32, #tpu.memory_space<vmem>>, vector<16xf32>,
        %add3A_348 = arith.addf %add3A_330, %get3A_347 : vector<16xf32>
        %scan3A_349 = arith.constant 7 : i32
        %scan3A_350 = arith.addi %scan3A_220, %scan3A_349 : i32
        %get3A_351 = arith.index_cast %scan3A_350 : i32 to index
        %get3A_352 = arith.constant 0 : index
        %get3A_353 = tpu.vector_load %arg9[%get3A_351, %get3A_352] {strides = array<i32>} : memref<200x64xf32, #tpu.memory_space<vmem>>, vector<16xf32>,
        %add3A_354 = arith.addf %add3A_336, %get3A_353 : vector<16xf32>
        %get3A_355 = arith.index_cast %scan3A_350 : i32 to index
        %get3A_356 = arith.constant 16 : index
        %get3A_357 = tpu.vector_load %arg9[%get3A_355, %get3A_356] {strides = array<i32>} : memref<200x64xf32, #tpu.memory_space<vmem>>, vector<16xf32>,
        %add3A_358 = arith.addf %add3A_340, %get3A_357 : vector<16xf32>
        %get3A_359 = arith.index_cast %scan3A_350 : i32 to index
        %get3A_360 = arith.constant 32 : index
        %get3A_361 = tpu.vector_load %arg9[%get3A_359, %get3A_360] {strides = array<i32>} : memref<200x64xf32, #tpu.memory_space<vmem>>, vector<16xf32>,
        %add3A_362 = arith.addf %add3A_344, %get3A_361 : vector<16xf32>
        %get3A_363 = arith.index_cast %scan3A_350 : i32 to index
        %get3A_364 = arith.constant 48 : index
        %get3A_365 = tpu.vector_load %arg9[%get3A_363, %get3A_364] {strides = array<i32>} : memref<200x64xf32, #tpu.memory_space<vmem>>, vector<16xf32>,
        %add3A_366 = arith.addf %add3A_348, %get3A_365 : vector<16xf32>
        scf.yield %add3A_354, %add3A_358, %add3A_362, %add3A_366 : vector<16xf32>, vector<16xf32>, vector<16xf32>, vector<16xf32>
      }
      %scan3A_157 = arith.constant 200 : i32
      %add3A_158 = arith.constant 2 : i32
      %add3A_159 = arith.addi %add3A_145, %add3A_158 : i32
      %lt3A_160 = arith.constant 128 : i32
      %lt3A_161 = arith.cmpi slt, %add3A_159, %lt3A_160 : i32
      %convert_element_type3A_162 = arith.extui %lt3A_161 : i1 to i32
      %cond3A_163 = arith.constant 0 : i32
      %cond3A_164 = arith.cmpi ne, %convert_element_type3A_162, %cond3A_163 : i32
      scf.if %cond3A_164 {
        %mul3A_220 = arith.constant 200 : i32
        %mul3A_221 = arith.muli %add3A_159, %mul3A_220 : i32
        %dma_start3A_222 = arith.constant 0 : i32
        %dma_start3A_223 = arith.constant 0 : i32
        %dma_start3A_224 = tpu.memref_slice %arg9[%dma_start3A_222, %dma_start3A_223] : memref<200x64xf32, #tpu.memory_space<vmem>> -> memref<128x64xf32, #tpu.memory_space<vmem>>
        %dma_start3A_225 = tpu.memref_slice %arg7[%mul3A_221] : memref<25600xi32, #tpu.memory_space<vmem>> -> memref<128xi32, #tpu.memory_space<vmem>>
        %dma_start3A_226 = arith.constant 0 : i32
        %dma_start3A_227 = arith.constant 0 : i32
        %dma_start3A_228 = tpu.memref_slice %arg3[%dma_start3A_226, %dma_start3A_227] : memref<1000000x64xf32, #tpu.memory_space<hbm>> -> memref<1000000x64xf32, #tpu.memory_space<hbm>>
        tpu.enqueue_indirect_dma source(%dma_start3A_228 : memref<1000000x64xf32, #tpu.memory_space<hbm>>) target(%dma_start3A_224 : memref<128x64xf32, #tpu.memory_space<vmem>>) offsets(%dma_start3A_225 : memref<128xi32, #tpu.memory_space<vmem>>) semaphore(%arg14 : memref<!tpu.dma_semaphore, #tpu.memory_space<semaphore_mem>>)
        %mul3A_229 = arith.constant 200 : i32
        %mul3A_230 = arith.muli %add3A_159, %mul3A_229 : i32
        %add3A_231 = arith.constant 128 : i32
        %add3A_232 = arith.addi %mul3A_230, %add3A_231 : i32
        %dma_start3A_233 = arith.constant 128 : i32
        %dma_start3A_234 = arith.constant 0 : i32
        %dma_start3A_235 = tpu.memref_slice %arg9[%dma_start3A_233, %dma_start3A_234] : memref<200x64xf32, #tpu.memory_space<vmem>> -> memref<72x64xf32, #tpu.memory_space<vmem>>
        %dma_start3A_236 = tpu.memref_slice %arg7[%add3A_232] : memref<25600xi32, #tpu.memory_space<vmem>> -> memref<72xi32, #tpu.memory_space<vmem>>
        %dma_start3A_237 = arith.constant 0 : i32
        %dma_start3A_238 = arith.constant 0 : i32
        %dma_start3A_239 = tpu.memref_slice %arg3[%dma_start3A_237, %dma_start3A_238] : memref<1000000x64xf32, #tpu.memory_space<hbm>> -> memref<1000000x64xf32, #tpu.memory_space<hbm>>
        tpu.enqueue_indirect_dma source(%dma_start3A_239 : memref<1000000x64xf32, #tpu.memory_space<hbm>>) target(%dma_start3A_235 : memref<72x64xf32, #tpu.memory_space<vmem>>) offsets(%dma_start3A_236 : memref<72xi32, #tpu.memory_space<vmem>>) semaphore(%arg14 : memref<!tpu.dma_semaphore, #tpu.memory_space<semaphore_mem>>)
      } else {
      }
      %mul3A_165 = arith.mulf %scan3A_156#0, %get3A_5 : vector<16xf32>
      %add3A_166 = arith.addf %get3A_29, %mul3A_165 : vector<16xf32>
      %mul3A_167 = arith.mulf %scan3A_156#1, %get3A_7 : vector<16xf32>
      %add3A_168 = arith.addf %add3A_166, %mul3A_167 : vector<16xf32>
      %mul3A_169 = arith.mulf %scan3A_156#2, %get3A_9 : vector<16xf32>
      %add3A_170 = arith.addf %add3A_168, %mul3A_169 : vector<16xf32>
      %mul3A_171 = arith.mulf %scan3A_156#3, %get3A_11 : vector<16xf32>
      %add3A_172 = arith.addf %add3A_170, %mul3A_171 : vector<16xf32>
      %eq3A_173 = arith.constant 0 : i32
      %eq3A_174 = vector.broadcast %eq3A_173 : i32 to vector<16xi32>
      %eq3A_175 = arith.cmpi eq, %iota3A, %eq3A_174 : vector<16xi32>
      %reduce_sum3A_176 = arith.constant true
      %reduce_sum3A_177 = vector.broadcast %reduce_sum3A_176 : i1 to vector<16xi1>
      %reduce_sum3A_178 = tpu.scan <sum>, %add3A_172 masked %reduce_sum3A_177 : vector<16xf32>, vector<16xi1> -> vector<16xf32>
      %reduce_sum3A_179 = vector.extract %reduce_sum3A_178[15] : f32 from vector<16xf32>
      %broadcast_in_dim3A_180 = vector.broadcast %reduce_sum3A_179 : f32 to vector<16xf32>
      %select_n3A_181 = arith.select %eq3A_175, %broadcast_in_dim3A_180, %broadcast_in_dim3A_34 : vector<16xi1>, vector<16xf32>
      %mul3A_182 = arith.mulf %scan3A_156#0, %get3A_13 : vector<16xf32>
      %add3A_183 = arith.addf %get3A_31, %mul3A_182 : vector<16xf32>
      %mul3A_184 = arith.mulf %scan3A_156#1, %get3A_15 : vector<16xf32>
      %add3A_185 = arith.addf %add3A_183, %mul3A_184 : vector<16xf32>
      %mul3A_186 = arith.mulf %scan3A_156#2, %get3A_17 : vector<16xf32>
      %add3A_187 = arith.addf %add3A_185, %mul3A_186 : vector<16xf32>
      %mul3A_188 = arith.mulf %scan3A_156#3, %get3A_19 : vector<16xf32>
      %add3A_189 = arith.addf %add3A_187, %mul3A_188 : vector<16xf32>
      %eq3A_190 = arith.constant 1 : i32
      %eq3A_191 = vector.broadcast %eq3A_190 : i32 to vector<16xi32>
      %eq3A_192 = arith.cmpi eq, %iota3A, %eq3A_191 : vector<16xi32>
      %reduce_sum3A_193 = arith.constant true
      %reduce_sum3A_194 = vector.broadcast %reduce_sum3A_193 : i1 to vector<16xi1>
      %reduce_sum3A_195 = tpu.scan <sum>, %add3A_189 masked %reduce_sum3A_194 : vector<16xf32>, vector<16xi1> -> vector<16xf32>
      %reduce_sum3A_196 = vector.extract %reduce_sum3A_195[15] : f32 from vector<16xf32>
      %broadcast_in_dim3A_197 = vector.broadcast %reduce_sum3A_196 : f32 to vector<16xf32>
      %select_n3A_198 = arith.select %eq3A_192, %broadcast_in_dim3A_197, %select_n3A_181 : vector<16xi1>, vector<16xf32>
      %mul3A_199 = arith.mulf %scan3A_156#0, %get3A_21 : vector<16xf32>
      %add3A_200 = arith.addf %get3A_33, %mul3A_199 : vector<16xf32>
      %mul3A_201 = arith.mulf %scan3A_156#1, %get3A_23 : vector<16xf32>
      %add3A_202 = arith.addf %add3A_200, %mul3A_201 : vector<16xf32>
      %mul3A_203 = arith.mulf %scan3A_156#2, %get3A_25 : vector<16xf32>
      %add3A_204 = arith.addf %add3A_202, %mul3A_203 : vector<16xf32>
      %mul3A_205 = arith.mulf %scan3A_156#3, %get3A_27 : vector<16xf32>
      %add3A_206 = arith.addf %add3A_204, %mul3A_205 : vector<16xf32>
      %eq3A_207 = arith.constant 2 : i32
      %eq3A_208 = vector.broadcast %eq3A_207 : i32 to vector<16xi32>
      %eq3A_209 = arith.cmpi eq, %iota3A, %eq3A_208 : vector<16xi32>
      %reduce_sum3A_210 = arith.constant true
      %reduce_sum3A_211 = vector.broadcast %reduce_sum3A_210 : i1 to vector<16xi1>
      %reduce_sum3A_212 = tpu.scan <sum>, %add3A_206 masked %reduce_sum3A_211 : vector<16xf32>, vector<16xi1> -> vector<16xf32>
      %reduce_sum3A_213 = vector.extract %reduce_sum3A_212[15] : f32 from vector<16xf32>
      %broadcast_in_dim3A_214 = vector.broadcast %reduce_sum3A_213 : f32 to vector<16xf32>
      %select_n3A_215 = arith.select %eq3A_209, %broadcast_in_dim3A_214, %select_n3A_198 : vector<16xi1>, vector<16xf32>
      %mul3A_216 = arith.constant 16 : i32
      %mul3A_217 = arith.muli %add3A_145, %mul3A_216 : i32
      %swap3A_218 = arith.index_cast %mul3A_217 : i32 to index
      %swap3A_219 = tpu.vector_load %arg12[%swap3A_218] {strides = array<i32>} : memref<2048xf32, #tpu.memory_space<vmem>>, vector<16xf32>,
      tpu.vector_store %arg12[%swap3A_218], %select_n3A_215 {strides = array<i32>} : memref<2048xf32, #tpu.memory_space<vmem>>, vector<16xf32>,
    }
    %scan3A_70 = arith.constant 64 : i32
    %mul3A_71 = arith.constant 16 : i32
    %mul3A_72 = arith.muli %mul3A_2, %mul3A_71 : i32
    "tpu.region"() ({
      %run_scoped3A = tpu.sem_alloc : memref<!tpu.dma_semaphore, #tpu.memory_space<semaphore_mem>>
      %dma_start3A_73 = tpu.memref_slice %arg6[%mul3A_72] : memref<65536xf32, #tpu.memory_space<hbm>> -> memref<2048xf32, #tpu.memory_space<hbm>>
      %dma_start3A_74 = tpu.memref_slice %arg6[%mul3A_72] : memref<65536xf32, #tpu.memory_space<hbm>> -> memref<2048xf32, #tpu.memory_space<hbm>>
      tpu.enqueue_dma source(%arg12 : memref<2048xf32, #tpu.memory_space<vmem>>) target(%dma_start3A_74 : memref<2048xf32, #tpu.memory_space<hbm>>) target_semaphore(%run_scoped3A : memref<!tpu.dma_semaphore, #tpu.memory_space<semaphore_mem>>)
      %dma_wait3A = tpu.memref_slice %arg6[%mul3A_72] : memref<65536xf32, #tpu.memory_space<hbm>> -> memref<2048xf32, #tpu.memory_space<hbm>>
      %dma_wait3A_75 = tpu.memref_slice %arg6[%mul3A_72] : memref<65536xf32, #tpu.memory_space<hbm>> -> memref<2048xf32, #tpu.memory_space<hbm>>
      tpu.wait_dma2 semaphore(%run_scoped3A : memref<!tpu.dma_semaphore, #tpu.memory_space<semaphore_mem>>) src(%arg12 : memref<2048xf32, #tpu.memory_space<vmem>>) dst(%dma_wait3A_75 : memref<2048xf32, #tpu.memory_space<hbm>>)
      tpu.yield
    }) : () -> ()
    return
  }
}

</mosaic_0001>

<sc_bundles>
// kernel: kernel.3.cloned.1.call-start
scs
__scs_entry_jumppad:
0x0: {  	(pc) =	sbr.rel $0x88, $3  }
0x1: {  	(tag) =	ssettag $0x0;
	lr =	simm.s32 $0x1  }
0x2: {  	[smem:$0x3F9D] =	sst lr;
	_ =	strace $0xD0000000  }
0x3: {  	_ = 	snop  }
0x4: {  	_ = 	snop  }
0x5: {  	_ = 	snop  }
0x6: {  	_ = 	snop  }
0x7: {  	_ = 	snop  }
__scs_overlays_trampoline_lowered:
0x8: {  	[smem:$0x3FAC] =	sst s0  }
0x9: {  	[smem:$0x3FAD] =	sst s1  }
0xa: {  	[smem:$0x3FAE] =	sst s2  }
0xb: {  	[smem:$0x3FAF] =	sst s3  }
0xc: {  	[smem:$0x3FB0] =	sst s4  }
0xd: {  	[smem:$0x3FB1] =	sst s5  }
0xe: {  	[smem:$0x3FB2] =	sst s6  }
0xf: {  	[smem:$0x3FB3] =	sst s7  }
0x10: {  	[smem:$0x3FB4] =	sst s8  }
0x11: {  	[smem:$0x3FB5] =	sst s9;
	s0 =	simm.s32 @!p0 $0x0  }
0x12: {  	s1 =	sld [smem:$0x3F9B];
	s0 =	simm.s32 @p0 $0x1  }
0x13: {  	[smem:$0x3FB6] =	sst s0;
	s0 =	simm.s32 @!p1 $0x0  }
0x14: {  	s2 =	sld [smem:$0x3F9A];
	s0 =	simm.s32 @p1 $0x1  }
0x15: {  	[smem:$0x3FB7] =	sst s0;
	s0 =	simm.s32 @!p2 $0x0  }
0x16: {  	s3 =	sld [smem:$0x3FDB];
	s0 =	simm.s32 @p2 $0x1  }
0x17: {  	s4 =	simm.s32 $0x1BF5;
	[smem:$0x3FB9] =	sst s0  }
0x18: {  	s0 =	sld [smem:$0x3F9C];
	_ =	swait.ge [sflag:s4], $0x0  }
0x19: {  	s7 =	sld [smem:$0x3F9D]  }
0x1a: {  	s8 =	sadd.s32 $0xFFFFE003, lr  }
0x1b: {  	s9 =	sadd.s32 $0xFFFFFEF7, lr;
	s5 =	simm.s32 $0xFFFFFFFF;
	p2 =	slt.u32 s8, $0xFFFFF086  }
0x1c: {  	p1 =	slt.u32 s9, $0xF7A;
	s5 =	simm.s32 @!p2 $0x0  }
0x1d: {  	s5 =	simm.s32 @p1 $0x1;
	p0 =	seq.s32 s7, s2  }
0x1e: {  	s7 =	smul.u32 @!p0 $0xF7A, s2;
	p2 =	seq.s32 @!p0 s5, $0x0  }
0x1f: {  	s9 =	smul.u32 $0xF7A, s1;
	s8 =	simm.s32 @!p0 $0x1BF5;
	p2 =	por !p2, p0  }
0x20: {  	[sflag:s8] =	ssyncset.s32 @!p0 $0xFFFFF086;
	s6 =	sadd.s32 @!p0 s3, s7;
	s7 =	simm.s32 @!p0 $0x108  }
0x21: {  	s3 =	sadd.s32 s3, s9;
	s6 =	sadd.s32 @!p0 $0x88, s6;
	s7 =	simm.s32 @p2 $0x1082  }
0x22: {  	[simem:s7], [sflag:s8] =	dma.local @!p0 [hbm:s6], $0xF7A  }
0x23: {  	s9 =	sor.u32 $0xD0000000, s2;
	s6 =	simm.s32 $0x108;
	_ =	swait.ge @!p0 [sflag:s8], $0x0  }
0x24: {  	s3 =	sadd.s32 $0x88, s3;
	s6 =	simm.s32 @!p1 $0x1082;
	[sflag:s4] =	ssyncset.s32 $0xFFFFF086  }
0x25: {  	[simem:s6], [sflag:s4] =	dma.local [hbm:s3], $0xF7A  }
0x26: {  	[smem:$0x3F9D] =	sst s1;
	(tag) =	ssettag s2;
	_ =	strace s9  }
0x27: {  	s1 =	sld [smem:$0x3FAD]  }
0x28: {  	s2 =	sld [smem:$0x3FAE]  }
0x29: {  	s4 =	sld [smem:$0x3FB0]  }
0x2a: {  	p0 =	seq.s32 s5, $0x0;
	s5 =	sld [smem:$0x3FB1]  }
0x2b: {  	s6 =	sld [smem:$0x3FB2]  }
0x2c: {  	s7 =	sld [smem:$0x3FB3]  }
0x2d: {  	s3 =	simm.s32 $0x108;
	s8 =	sld [smem:$0x3FB4]  }
0x2e: {  	s3 =	simm.s32 @!p0 $0x1082;
	s9 =	sld [smem:$0x3FB5]  }
0x2f: {  	lr =	sadd.s32 s0, s3;
	s0 =	sld [smem:$0x3FAC]  }
0x30: {  	s3 =	sld [smem:$0x3FAF]  }
0x31: {  	[smem:$0x3FB8] =	sst s10  }
0x32: {  	s10 =	sld [smem:$0x3FB6];
	_ =	sdelay $0x3  }
0x33: {  	p0 =	seq.s32 s10, $0x1;
	s10 =	sld [smem:$0x3FB8];
	_ =	sdelay $0x3  }
0x34: {  	[smem:$0x3FB8] =	sst s10  }
0x35: {  	s10 =	sld [smem:$0x3FB7];
	_ =	sdelay $0x3  }
0x36: {  	p1 =	seq.s32 s10, $0x1;
	s10 =	sld [smem:$0x3FB8];
	_ =	sdelay $0x3  }
0x37: {  	[smem:$0x3FB8] =	sst s10  }
0x38: {  	s10 =	sld [smem:$0x3FB9]  }
0x39: {  	_ = 	snop;
	(pc) =	sbr.ind lr, $3  }
0x3a: {  	_ = 	snop  }
0x3b: {  	_ = 	snop  }
0x3c: {  	p2 =	seq.s32 s10, $0x1;
	s10 =	sld [smem:$0x3FB8]  }
0x3d: {  	_ =	shalt  }
0x3e: {  	_ =	shalt  }
0x3f: {  	_ =	shalt  }
0x40: {  	_ =	shalt  }
0x41: {  	_ =	shalt  }
0x42: {  	_ =	shalt  }
0x43: {  	_ =	shalt  }
0x44: {  	_ =	shalt  }
0x45: {  	_ =	shalt  }
0x46: {  	_ =	shalt  }
0x47: {  	_ =	shalt  }
0x48: {  	_ =	shalt  }
0x49: {  	_ =	shalt  }
0x4a: {  	_ =	shalt  }
0x4b: {  	_ =	shalt  }
0x4c: {  	_ =	shalt  }
0x4d: {  	_ =	shalt  }
0x4e: {  	_ =	shalt  }
0x4f: {  	_ =	shalt  }
0x50: {  	_ =	shalt  }
0x51: {  	_ =	shalt  }
0x52: {  	_ =	shalt  }
0x53: {  	_ =	shalt  }
0x54: {  	_ =	shalt  }
0x55: {  	_ =	shalt  }
0x56: {  	_ =	shalt  }
0x57: {  	_ =	shalt  }
0x58: {  	_ =	shalt  }
0x59: {  	_ =	shalt  }
0x5a: {  	_ =	shalt  }
0x5b: {  	_ =	shalt  }
0x5c: {  	_ =	shalt  }
0x5d: {  	_ =	shalt  }
0x5e: {  	_ =	shalt  }
0x5f: {  	_ =	shalt  }
0x60: {  	_ =	shalt  }
0x61: {  	_ =	shalt  }
0x62: {  	_ =	shalt  }
0x63: {  	_ =	shalt  }
0x64: {  	_ =	shalt  }
0x65: {  	_ =	shalt  }
0x66: {  	_ =	shalt  }
0x67: {  	_ =	shalt  }
0x68: {  	_ =	shalt  }
0x69: {  	_ =	shalt  }
0x6a: {  	_ =	shalt  }
0x6b: {  	_ =	shalt  }
0x6c: {  	_ =	shalt  }
0x6d: {  	_ =	shalt  }
0x6e: {  	_ =	shalt  }
0x6f: {  	_ =	shalt  }
0x70: {  	_ =	shalt  }
0x71: {  	_ =	shalt  }
0x72: {  	_ =	shalt  }
0x73: {  	_ =	shalt  }
0x74: {  	_ =	shalt  }
0x75: {  	_ =	shalt  }
0x76: {  	_ =	shalt  }
0x77: {  	_ =	shalt  }
0x78: {  	_ =	shalt  }
0x79: {  	_ =	shalt  }
0x7a: {  	_ =	shalt  }
0x7b: {  	_ =	shalt  }
0x7c: {  	_ =	shalt  }
0x7d: {  	_ =	shalt  }
0x7e: {  	_ =	shalt  }
0x7f: {  	_ =	shalt  }
0x80: {  	_ =	shalt  }
0x81: {  	_ =	shalt  }
0x82: {  	_ =	shalt  }
0x83: {  	_ =	shalt  }
0x84: {  	_ =	shalt  }
0x85: {  	_ =	shalt  }
0x86: {  	_ =	shalt  }
0x87: {  	_ =	shalt  }
.Lfunc_end0:
.L_simem_size_0:
called_computation_lowered:
.L_overlay_start_0:
0x88: {  	s2 =	sld [smem:$0x3FD9]  }
0x89: {  	s3 =	sld [smem:$0x3FFE];
	_ =	sdelay $0x1  }
0x8a: {  	s1 =	srdreg.scid  }
0x8b: {  	s0 =	sand.u32 $0x1, s1  }
0x8c: {  	s17 =	sshll.u32 s0, $0xA;
	s2 =	sadd.s32 s3, s2  }
0x8d: {  	s2 =	sadd.s32 s2, s17  }
0x8e: {  	[smem:$0x3FC4] =	sst s2  }
0x8f: {  	_ = 	snop  }
0x90: {  	s2 =	sld [smem:$0x3FD0];
	(tm) =	ssettm $0x1  }
0x91: {  	s18 =	sld [smem:$0x3FFB];
	_ =	sdelay $0x3  }
0x92: {  	_ =	strace s18  }
0x93: {  	s3 =	sld [smem:$0x3FFC];
	_ =	sdelay $0x3  }
0x94: {  	_ =	strace s3  }
0x95: {  	s3 =	sld [smem:$0x3FFD];
	_ =	sdelay $0x3  }
0x96: {  	_ =	strace s3  }
0x97: {  	_ =	strace $0x8FFFFFFF  }
0x98: {  	s19 =	sld [smem:$0x3FDB];
	_ =	sdelay $0x1  }
0x99: {  	s4 =	simm.s32 $_scs_section_size  }
0x9a: {  	s5 =	simm.s32 $_size__tile_overlayer_lowered;
	s6 =	simm.s32 $_tile_overlayer_lowered  }
0x9b: {  	s22 =	simm.s32 $0x1BFF;
	s21 =	sshll.u32 s6, $0x1;
	s3 =	sadd.s32 s4, s19  }
0x9c: {  	s7 =	simm.s32 $0x0;
	s20 =	sshll.u32 s5, $0x1;
	s5 =	sadd.s32 s21, s3  }
0x9d: {  	[timem:s7], [sflag:s22] =	dma.local [hbm:s5], s20  }
0x9e: {  	_ =	swait.ge [sflag:s22], s20  }
0x9f: {  	s4 =	ssub.s32 $0x0, s20;
	[sflag:s22] =	ssyncset.done $0x0  }
0xa0: {  	[sflag:s22] =	ssyncadd.s32 s4;
	_ =	sdelay $0x1  }
0xa1: {  	s23 =	simm.s32 $0x1B8B  }
0xa2: {  	_ =	swait.ge [sflag:s23], $0x1  }
0xa3: {  	[sflag:s23] =	ssyncset.done $0x0  }
0xa4: {  	s25 =	simm.s32 $0x1B8E;
	s24 =	sld [smem:$0x3FFE];
	[sflag:s23] =	ssyncadd.s32 $0xFFFFFFFF  }
0xa5: {  	s26 =	simm.s32 $execute0_lowered;
	[smem:$0x3FD2] =	sst s25  }
0xa6: {  	s5 =	sshll.u32 s26, $0x1;
	_ =	strace $0x80000046;
	[dreg:$0x1] =	wrdreg $0xFFFFFFFF  }
0xa7: {  	s28 =	simm.s32 $_size_execute0_lowered;
	s3 =	sadd.s32 s3, s5;
	[dreg:$0x0] =	wrdreg $0x0  }
0xa8: {  	s5 =	sshll.u32 s28, $0x1;
	[dreg:$0x2] =	wrdreg s3  }
0xa9: {  	[dreg:$0x3] =	wrdreg s5  }
0xaa: {  	[dreg:$0x4] =	wrdreg $0xC0  }
0xab: {  	_ =	task [dreg:s7], $0x5FFFF  }
0xac: {  	[dreg:$0x1] =	wrdreg $0xFFFFFFFF  }
0xad: {  	[dreg:$0x0] =	wrdreg $0x60  }
0xae: {  	[dreg:$0x2] =	wrdreg s24  }
0xaf: {  	[dreg:$0x3] =	wrdreg s2  }
0xb0: {  	[dreg:$0x4] =	wrdreg $0x9  }
0xb1: {  	_ =	task.clear_ibuf [dreg:s7], $0x5FFFF;
	_ =	strace $0x90000046  }
0xb2: {  	s29 =	simm.s32 $0x9;
	_ =	strace $0x80000048  }
0xb3: {  	_ =	swait.ge [sflag:s29], $0x1  }
0xb4: {  	[sflag:s29] =	ssyncadd.s32 $0xFFFFFFFF  }
0xb5: {  	_ =	strace $0x90000048  }
0xb6: {  	_ =	sfence  }
0xb7: {  	s30 =	sld [smem:$0x0];
	_ =	sdelay $0x2  }
0xb8: {  	s31 =	sshll.u32 s1, $0xD;
	s1 =	sshrl.u32 s1, $0x2  }
0xb9: {  	s3 =	sand.u32 $0x4000, s31;
	s1 =	sadd.s32 s1, s30  }
0xba: {  	s0 =	sor.u32 s3, s0;
	s1 =	sshll.u32 s1, $0x11  }
0xbb: {  	s0 =	sor.u32 s1, s0  }
0xbc: {  	s0 =	sadd.s32 $0x8F2B, s0  }
0xbd: {  	[sflag:s0] =	ssyncadd.remote.s32 $0x1  }
0xbe: {  	_ =	sfence.sel $0xFFFF  }
0xbf: {  	[dreg:$0x0] =	wrdreg $0xFFFFFFFF;
	(pc) =	sbr.abs _section_cstart, $3  }
0xc0: {  	[dreg:$0x1] =	wrdreg $0xFFFFFFFF  }
0xc1: {  	_ =	task.clear_ibuf [dreg:s7], $0x2FFFF;
	_ =	strace $0x9FFFFFFF  }
0xc2: {  	(tm) =	ssettm $0x7FFFFFFF  }
0xc3: {  	_ =	shalt  }
tec
execute0_lowered:
.L_overlay_start_1:
0x0: {  	(tag) =	ssettag $0x1  }
0x1: {  	s1 =	srdreg.scid;
	s6 =	rddreg [dreg:$0x0]  }
0x2: {  	s0 =	stileid.u32;
	s2 =	rddreg [dreg:$0x1];
	s3 =	simm.s32 $0x0  }
0x3: {  	s11 =	simm.s32 $0xC8C0;
	s12 =	simm.s32 $0x80;
	s13 =	simm.s32 $0x6400  }
0x4: {  	s14 =	simm.s32 $0x48;
	s15 =	simm.s32 $0x8400;
	s16 =	simm.s32 $0xC8  }
0x5: {  	s17 =	simm.s32 $0x9600;
	s18 =	simm.s32 $0x148;
	s19 =	simm.s32 $0xB600  }
0x6: {  	s20 =	simm.s32 $0x1;
	s21 =	simm.s32 $0x2;
	s22 =	simm.s32 $0xC8F0  }
0x7: {  	s4 =	sand.u32 $0x1, s1;
	s31 =	sshll.u32 s0, $0x1;
	s1 =	rddreg [dreg:$0x2]  }
0x8: {  	s23 =	simm.s32 $0x0;
	[smem:$0x7FF] =	sst s3;
	s5 =	sor.u32 s4, s31  }
0x9: {  	_ =	strace $0x80000047;
	s8 =	ssub.s32 $0x2, s4;
	s4 =	sadd.s32 $0xF42E00, s6  }
0xa: {  	s7 =	smul.u32 $0xC80, s5;
	s9 =	sshll.u32 s5, $0x8;
	s10 =	sshrl.u32 s8, $0x1  }
0xb: {  	s5 =	sadd.s32 $0x19A00, s6;
	s9 =	sadd.s32 s9, s6;
	s8 =	ssub.s32 s8, s10  }
0xc: {  	s10 =	simm.s32 $0xC800;
	s7 =	sadd.s32 s7, s6;
	s8 =	smax.u32 s8, $0x1  }
0xd: {  	vm0 =	vmmov $0x1;
	vm1 =	vcmask $0x30C;
	vm2 =	vcmask $0x70C;
	s6 =	sadd.s32 $0xA00, s7;
	s7 =	sadd.s32 $0x19C00, s9;
	s9 =	simm.s32 $0x3  }
.LBB2_1:
0xe: {  	[tilespmem:s3], [sflag:$0x3] =	stream.linear.gather [hbm4b:s6+s3], $0x6400, $0x38;
	[tilespmem:$0xD0F0] =	vst v63  }
0xf: {  	_ =	swait.ge [sflag:s9], $0x6400  }
0x10: {  	[sflag:s9] =	ssyncset.done $0x0  }
0x11: {  	[sflag:s9] =	ssyncadd.s32 $0xFFFF9C00  }
0x12: {  	[tilespmem:s10], [sflag:$0x3] =	stream.linear.gather [hbm4b:s2+s3], $0xC0, $0x38;
	[tilespmem:$0xD0F0] =	vst v63  }
0x13: {  	_ =	swait.ge [sflag:s9], $0xC0  }
0x14: {  	[sflag:s9] =	ssyncset.done $0x0  }
0x15: {  	[sflag:s9] =	ssyncadd.s32 $0xFFFFFF40  }
0x16: {  	[tilespmem:s11], [sflag:$0x3] =	stream.linear.gather [hbm4b:s5+s3], $0x30, $0x38;
	[tilespmem:$0xD0F0] =	vst v63  }
0x17: {  	_ =	swait.ge [sflag:s9], $0x30  }
0x18: {  	[sflag:s9] =	ssyncset.done $0x0  }
0x19: {  	[sflag:s9] =	ssyncadd.s32 $0xFFFFFFD0  }
0x1a: {  	v0 =	vld [tilespmem:$0xC800]  }
0x1b: {  	v1 =	vld [tilespmem:$0xC810]  }
0x1c: {  	v2 =	vld [tilespmem:$0xC820]  }
0x1d: {  	v3 =	vld [tilespmem:$0xC830]  }
0x1e: {  	v4 =	vld [tilespmem:$0xC840]  }
0x1f: {  	v5 =	vld [tilespmem:$0xC850]  }
0x20: {  	v6 =	vld [tilespmem:$0xC860]  }
0x21: {  	v7 =	vld [tilespmem:$0xC870]  }
0x22: {  	v8 =	vld [tilespmem:$0xC880]  }
0x23: {  	v9 =	vld [tilespmem:$0xC890]  }
0x24: {  	v10 =	vld [tilespmem:$0xC8A0]  }
0x25: {  	v11 =	vld [tilespmem:$0xC8B0]  }
0x26: {  	v12 =	vld [tilespmem:$0xC8C0]  }
0x27: {  	v13 =	vld [tilespmem:$0xC8D0]  }
0x28: {  	v14 =	vld [tilespmem:$0xC8E0];
	[tilespmem:s13], [sflag:$0x1] =	stream.indirect.gather [hbm4b:s4+s12], $0x40, s3, s12, $0xb8  }
0x29: {  	_ = 	snop  }
0x2a: {  	[tilespmem:s15], [sflag:$0x1] =	stream.indirect.gather [hbm4b:s4+s14], $0x40, s12, s14, $0xb8;
	[tilespmem:$0xD0F0] =	vst v63  }
0x2b: {  	_ = 	snop  }
0x2c: {  	[tilespmem:s17], [sflag:$0x2] =	stream.indirect.gather [hbm4b:s4+s12], $0x40, s16, s12, $0xb8;
	[tilespmem:$0xD0F0] =	vst v63  }
0x2d: {  	s24 =	simm.s32 $0x0  }
0x2e: {  	[tilespmem:s19], [sflag:$0x2] =	stream.indirect.gather [hbm4b:s4+s14], $0x40, s18, s14, $0xb8;
	[tilespmem:$0xD0F0] =	vst v63  }
.LBB2_2:
0x2f: {  	_ =	swait.ge [sflag:s20], $0x3200  }
0x30: {  	[sflag:s20] =	ssyncset.done $0x0  }
0x31: {  	s26 =	simm.s32 $0x6500;
	[sflag:s20] =	ssyncadd.s32 $0xFFFFCE00  }
0x32: {  	v16 =	vld [tilespmem:s26+$0xC0]  }
0x33: {  	v17 =	vld [tilespmem:s26+$0xD0]  }
0x34: {  	v15 =	vld [tilespmem:s26+$0x80]  }
0x35: {  	v18 =	vld [tilespmem:s26+$0x90]  }
0x36: {  	v23 =	vld [tilespmem:s26+$0x40]  }
0x37: {  	v28 =	vld [tilespmem:s26+$0x50]  }
0x38: {  	v22 =	vld [tilespmem:s26+$0x0]  }
0x39: {  	v24 =	vld [tilespmem:s26+$0x10]  }
0x3a: {  	v20 =	vld [tilespmem:s26+$0xFFFFFFC0]  }
0x3b: {  	v21 =	vld [tilespmem:s26+$0xFFFFFFD0]  }
0x3c: {  	v19 =	vld [tilespmem:s26+$0xFFFFFF80]  }
0x3d: {  	v25 =	vld [tilespmem:s26+$0xFFFFFF90]  }
0x3e: {  	v26 =	vld [tilespmem:s26+$0xFFFFFF40]  }
0x3f: {  	v27 =	vld [tilespmem:s26+$0xFFFFFF50]  }
0x40: {  	v29 =	vld [tilespmem:s26+$0xFFFFFF00]  }
0x41: {  	v30 =	vld [tilespmem:s26+$0xFFFFFF10]  }
0x42: {  	v31 =	vld [tilespmem:s26+$0xFFFFFF20]  }
0x43: {  	v32 =	vld [tilespmem:s26+$0xFFFFFF30]  }
0x44: {  	v33 =	vld [tilespmem:s26+$0xFFFFFF60]  }
0x45: {  	v34 =	vld [tilespmem:s26+$0xFFFFFF70]  }
0x46: {  	v35 =	vimm.f32 $0.0e+00;
	v36 =	vld [tilespmem:s26+$0xFFFFFFA0]  }
0x47: {  	v37 =	vld [tilespmem:s26+$0xFFFFFFB0];
	v29 =	vadd.f32 v29, v35;
	v30 =	vadd.f32 v30, v35  }
0x48: {  	v61 =	vld [tilespmem:s26+$0xFFFFFFE0];
	v31 =	vadd.f32 v31, v35;
	v32 =	vadd.f32 v32, v35  }
0x49: {  	v26 =	vadd.f32 v26, v29;
	v27 =	vadd.f32 v27, v30;
	v29 =	vld [tilespmem:s26+$0xFFFFFFF0]  }
0x4a: {  	v62 =	vld [tilespmem:s26+$0x20];
	v30 =	vadd.f32 v33, v31;
	v31 =	vadd.f32 v34, v32  }
0x4b: {  	v26 =	vadd.f32 v19, v26;
	v25 =	vadd.f32 v25, v27;
	v27 =	vld [tilespmem:s26+$0x30]  }
0x4c: {  	v30 =	vadd.f32 v36, v30;
	v31 =	vadd.f32 v37, v31;
	v19 =	vld [tilespmem:s26+$0x60]  }
0x4d: {  	v26 =	vadd.f32 v20, v26;
	v25 =	vadd.f32 v21, v25;
	v20 =	vld [tilespmem:s26+$0x70]  }
0x4e: {  	v30 =	vadd.f32 v61, v30;
	v21 =	vld [tilespmem:s26+$0xA0];
	v29 =	vadd.f32 v29, v31  }
0x4f: {  	v31 =	vadd.f32 v22, v26;
	v63 =	vadd.f32 v24, v25;
	v22 =	vld [tilespmem:s26+$0xB0]  }
0x50: {  	v26 =	vadd.f32 v62, v30;
	v24 =	vld [tilespmem:s26+$0xE0];
	v25 =	vadd.f32 v27, v29  }
0x51: {  	s25 =	simm.s32 $0x0;
	v27 =	vadd.f32 v23, v31;
	v28 =	vadd.f32 v28, v63;
	v23 =	vld [tilespmem:s26+$0xF0];
	s26 =	simm.s32 $0x6700  }
.LBB2_3:
0x52: {  	v29 =	vld [tilespmem:s26+$0xC0];
	v19 =	vadd.f32 v19, v26;
	v20 =	vadd.f32 v20, v25  }
0x53: {  	v25 =	vld [tilespmem:s26+$0xD0];
	v26 =	vadd.f32 v15, v27;
	v27 =	vadd.f32 v18, v28  }
0x54: {  	v15 =	vld [tilespmem:s26+$0x80];
	v19 =	vadd.f32 v21, v19;
	v20 =	vadd.f32 v22, v20  }
0x55: {  	v18 =	vld [tilespmem:s26+$0x90];
	v21 =	vadd.f32 v16, v26;
	v22 =	vadd.f32 v17, v27  }
0x56: {  	v27 =	vld [tilespmem:s26+$0x40];
	v19 =	vadd.f32 v24, v19;
	v20 =	vadd.f32 v23, v20  }
0x57: {  	v23 =	vld [tilespmem:s26+$0x50];
	v16 =	vmov v29  }
0x58: {  	v24 =	vld [tilespmem:s26+$0x0];
	v17 =	vmov v25  }
0x59: {  	v25 =	vld [tilespmem:s26+$0x10]  }
0x5a: {  	v26 =	vld [tilespmem:s26+$0xFFFFFFC0]  }
0x5b: {  	v28 =	vld [tilespmem:s26+$0xFFFFFFD0]  }
0x5c: {  	v29 =	vld [tilespmem:s26+$0xFFFFFF80]  }
0x5d: {  	v30 =	vld [tilespmem:s26+$0xFFFFFF90]  }
0x5e: {  	v31 =	vld [tilespmem:s26+$0xFFFFFF40]  }
0x5f: {  	v32 =	vld [tilespmem:s26+$0xFFFFFF50]  }
0x60: {  	v33 =	vld [tilespmem:s26+$0xFFFFFF00]  }
0x61: {  	v34 =	vld [tilespmem:s26+$0xFFFFFF10]  }
0x62: {  	v35 =	vld [tilespmem:s26+$0xFFFFFF20]  }
0x63: {  	s25 =	sadd.s32 $0x8, s25;
	v36 =	vld [tilespmem:s26+$0xFFFFFF30]  }
0x64: {  	p0 =	slt.u32 s25, $0xC0;
	v37 =	vld [tilespmem:s26+$0xFFFFFF60]  }
0x65: {  	v38 =	vld [tilespmem:s26+$0xFFFFFF70]  }
0x66: {  	v39 =	vld [tilespmem:s26+$0xFFFFFFA0]  }
0x67: {  	v21 =	vadd.f32 v33, v21;
	v22 =	vadd.f32 v34, v22;
	v33 =	vld [tilespmem:s26+$0xFFFFFFB0]  }
0x68: {  	v19 =	vadd.f32 v35, v19;
	v20 =	vadd.f32 v36, v20;
	v34 =	vld [tilespmem:s26+$0xFFFFFFE0]  }
0x69: {  	v21 =	vadd.f32 v31, v21;
	v22 =	vadd.f32 v32, v22;
	v31 =	vld [tilespmem:s26+$0xFFFFFFF0]  }
0x6a: {  	v19 =	vadd.f32 v37, v19;
	v20 =	vadd.f32 v38, v20;
	v32 =	vld [tilespmem:s26+$0x20]  }
0x6b: {  	v21 =	vadd.f32 v29, v21;
	v22 =	vadd.f32 v30, v22;
	v29 =	vld [tilespmem:s26+$0x30]  }
0x6c: {  	v30 =	vadd.f32 v39, v19;
	v33 =	vadd.f32 v33, v20;
	v19 =	vld [tilespmem:s26+$0x60]  }
.Ltmp0:
0x6d: {  	v26 =	vadd.f32 v26, v21;
	v22 =	vadd.f32 v28, v22;
	v20 =	vld [tilespmem:s26+$0x70];
	(pc) =	sbr.rel @p0 .LBB2_3-.Ltmp0, $4  }
0x6e: {  	v28 =	vadd.f32 v34, v30;
	v30 =	vadd.f32 v31, v33;
	v21 =	vld [tilespmem:s26+$0xA0]  }
0x6f: {  	v31 =	vadd.f32 v24, v26;
	v33 =	vadd.f32 v25, v22;
	v22 =	vld [tilespmem:s26+$0xB0]  }
0x70: {  	v26 =	vadd.f32 v32, v28;
	v25 =	vadd.f32 v29, v30;
	v24 =	vld [tilespmem:s26+$0xE0]  }
0x71: {  	v27 =	vadd.f32 v27, v31;
	v28 =	vadd.f32 v23, v33;
	v23 =	vld [tilespmem:s26+$0xF0];
	s26 =	sadd.s32 $0x200, s26  }
0x72: {  	_ = 	snop  }
0x73: {  	v15 =	vadd.f32 v15, v27  }
0x74: {  	v18 =	vadd.f32 v18, v28  }
0x75: {  	v15 =	vadd.f32 v16, v15;
	v16 =	vadd.f32 v19, v26  }
0x76: {  	v17 =	vadd.f32 v17, v18  }
0x77: {  	v18 =	vmul.f32 v15, v0;
	v16 =	vadd.f32 v21, v16  }
0x78: {  	v19 =	vadd.f32 v20, v25;
	v20 =	vmul.f32 v17, v1  }
0x79: {  	v21 =	vmul.f32 v15, v4;
	v18 =	vadd.f32 v18, v12;
	v16 =	vadd.f32 v24, v16  }
0x7a: {  	v19 =	vadd.f32 v22, v19;
	v15 =	vmul.f32 v15, v8;
	v22 =	vmul.f32 v17, v5  }
0x7b: {  	v21 =	vadd.f32 v21, v13;
	v18 =	vadd.f32 v20, v18;
	v20 =	vmul.f32 v16, v2  }
0x7c: {  	v17 =	vmul.f32 v17, v9;
	v19 =	vadd.f32 v23, v19;
	v15 =	vadd.f32 v15, v14  }
0x7d: {  	v18 =	vadd.f32 v20, v18;
	v20 =	vadd.f32 v22, v21;
	v21 =	vmul.f32 v16, v6  }
0x7e: {  	v15 =	vadd.f32 v17, v15;
	v22 =	vmul.f32 v19, v3;
	v16 =	vmul.f32 v16, v10  }
0x7f: {  	v17 =	vadd.f32 v21, v20;
	v20 =	vmul.f32 v19, v7  }
0x80: {  	v18 =	vadd.f32 v22, v18;
	v15 =	vadd.f32 v16, v15;
	v16 =	vmul.f32 v19, v11  }
0x81: {  	v17 =	vadd.f32 v20, v17  }
0x82: {  	(xrf2) =	vadd.scan.msk.f32 $0xffff, v18;
	v15 =	vadd.f32 v16, v15  }
0x83: {  	(xrf2) =	vadd.scan.msk.f32 $0xffff, v17  }
0x84: {  	(xrf2) =	vadd.scan.msk.f32 $0xffff, v15;
	_ =	sdelay $0x4  }
0x85: {  	p0 =	seq.s32 s24, $0x3F  }
0x86: {  	s25 =	smul.u32 @!p0 $0x640, s24;
	_ =	sdelay $0x1  }
0x87: {  	s31 =	sshll.u32 s24, $0x5;
	s25 =	sshra.s32 @!p0 s25, $0x2;
	v15, _, _ =	vpop (xrf2)  }
0x88: {  	s28 =	simm.s32 @!p0 $0x80;
	s29 =	simm.s32 @!p0 $0x6400;
	s26 =	sadd.s32 @!p0 $0x190, s25;
	v15 =	vbroadcast v15, $0xF;
	v16, _, _ =	vpop (xrf2)  }
0x89: {  	[tilespmem:s29], [sflag:$0x1] =	stream.indirect.gather @!p0 [hbm4b:s4+s28], $0x40, s26, s28, $0xb8;
	v16 =	vbroadcast v16, $0xF;
	v17, _, _ =	vpop (xrf2);
	[tilespmem:$0xD0F0] =	vst v63  }
0x8a: {  	s26 =	sadd.s32 @!p0 $0x210, s25;
	s28 =	simm.s32 @!p0 $0x48;
	s29 =	simm.s32 @!p0 $0x8400;
	v15 =	vnsel vm0, $0x0, v15;
	v17 =	vbroadcast v17, $0xF  }
0x8b: {  	[tilespmem:s29], [sflag:$0x1] =	stream.indirect.gather @!p0 [hbm4b:s4+s28], $0x40, s26, s28, $0xb8;
	v15 =	vsel vm1, v15, v16;
	[tilespmem:$0xD0F0] =	vst v63  }
0x8c: {  	s26 =	sand.u32 $0x3FFFFFE0, s31;
	v15 =	vsel vm2, v15, v17  }
0x8d: {  	[tilespmem:s26+$0xC8F0] =	vst v15  }
0x8e: {  	_ =	swait.ge [sflag:s21], $0x3200  }
0x8f: {  	[sflag:s21] =	ssyncset.done $0x0  }
0x90: {  	s29 =	simm.s32 $0x9700;
	[sflag:s21] =	ssyncadd.s32 $0xFFFFCE00  }
0x91: {  	v16 =	vld [tilespmem:s29+$0xC0]  }
0x92: {  	v17 =	vld [tilespmem:s29+$0xD0]  }
0x93: {  	v15 =	vld [tilespmem:s29+$0x80]  }
0x94: {  	v18 =	vld [tilespmem:s29+$0x90]  }
0x95: {  	v23 =	vld [tilespmem:s29+$0x40]  }
0x96: {  	v28 =	vld [tilespmem:s29+$0x50]  }
0x97: {  	v22 =	vld [tilespmem:s29+$0x0]  }
0x98: {  	v24 =	vld [tilespmem:s29+$0x10]  }
0x99: {  	v20 =	vld [tilespmem:s29+$0xFFFFFFC0]  }
0x9a: {  	v21 =	vld [tilespmem:s29+$0xFFFFFFD0]  }
0x9b: {  	v19 =	vld [tilespmem:s29+$0xFFFFFF80]  }
0x9c: {  	v25 =	vld [tilespmem:s29+$0xFFFFFF90]  }
0x9d: {  	v26 =	vld [tilespmem:s29+$0xFFFFFF40]  }
0x9e: {  	v27 =	vld [tilespmem:s29+$0xFFFFFF50]  }
0x9f: {  	v29 =	vld [tilespmem:s29+$0xFFFFFF00]  }
0xa0: {  	v30 =	vld [tilespmem:s29+$0xFFFFFF10]  }
0xa1: {  	v31 =	vld [tilespmem:s29+$0xFFFFFF20]  }
0xa2: {  	v32 =	vld [tilespmem:s29+$0xFFFFFF30]  }
0xa3: {  	v33 =	vld [tilespmem:s29+$0xFFFFFF60]  }
0xa4: {  	v34 =	vld [tilespmem:s29+$0xFFFFFF70]  }
0xa5: {  	v35 =	vimm.f32 $0.0e+00;
	v36 =	vld [tilespmem:s29+$0xFFFFFFA0]  }
0xa6: {  	v37 =	vld [tilespmem:s29+$0xFFFFFFB0];
	v29 =	vadd.f32 v29, v35;
	v30 =	vadd.f32 v30, v35  }
0xa7: {  	v61 =	vld [tilespmem:s29+$0xFFFFFFE0];
	v31 =	vadd.f32 v31, v35;
	v32 =	vadd.f32 v32, v35  }
0xa8: {  	v26 =	vadd.f32 v26, v29;
	v27 =	vadd.f32 v27, v30;
	v29 =	vld [tilespmem:s29+$0xFFFFFFF0]  }
0xa9: {  	v62 =	vld [tilespmem:s29+$0x20];
	v30 =	vadd.f32 v33, v31;
	v31 =	vadd.f32 v34, v32  }
0xaa: {  	v26 =	vadd.f32 v19, v26;
	v25 =	vadd.f32 v25, v27;
	v27 =	vld [tilespmem:s29+$0x30]  }
0xab: {  	v30 =	vadd.f32 v36, v30;
	v31 =	vadd.f32 v37, v31;
	v19 =	vld [tilespmem:s29+$0x60]  }
0xac: {  	v26 =	vadd.f32 v20, v26;
	v25 =	vadd.f32 v21, v25;
	v20 =	vld [tilespmem:s29+$0x70]  }
0xad: {  	v30 =	vadd.f32 v61, v30;
	v21 =	vld [tilespmem:s29+$0xA0];
	v29 =	vadd.f32 v29, v31  }
0xae: {  	v31 =	vadd.f32 v22, v26;
	v63 =	vadd.f32 v24, v25;
	v22 =	vld [tilespmem:s29+$0xB0]  }
0xaf: {  	v26 =	vadd.f32 v62, v30;
	v24 =	vld [tilespmem:s29+$0xE0];
	v25 =	vadd.f32 v27, v29  }
0xb0: {  	s28 =	simm.s32 $0x0;
	v27 =	vadd.f32 v23, v31;
	v28 =	vadd.f32 v28, v63;
	v23 =	vld [tilespmem:s29+$0xF0];
	s29 =	simm.s32 $0x9900  }
.LBB2_5:
0xb1: {  	v29 =	vld [tilespmem:s29+$0xC0];
	v19 =	vadd.f32 v19, v26;
	v20 =	vadd.f32 v20, v25  }
0xb2: {  	v25 =	vld [tilespmem:s29+$0xD0];
	v26 =	vadd.f32 v15, v27;
	v27 =	vadd.f32 v18, v28  }
0xb3: {  	v15 =	vld [tilespmem:s29+$0x80];
	v19 =	vadd.f32 v21, v19;
	v20 =	vadd.f32 v22, v20  }
0xb4: {  	v18 =	vld [tilespmem:s29+$0x90];
	v21 =	vadd.f32 v16, v26;
	v22 =	vadd.f32 v17, v27  }
0xb5: {  	v27 =	vld [tilespmem:s29+$0x40];
	v19 =	vadd.f32 v24, v19;
	v20 =	vadd.f32 v23, v20  }
0xb6: {  	v23 =	vld [tilespmem:s29+$0x50];
	v16 =	vmov v29  }
0xb7: {  	v24 =	vld [tilespmem:s29+$0x0];
	v17 =	vmov v25  }
0xb8: {  	v25 =	vld [tilespmem:s29+$0x10]  }
0xb9: {  	v26 =	vld [tilespmem:s29+$0xFFFFFFC0]  }
0xba: {  	v28 =	vld [tilespmem:s29+$0xFFFFFFD0]  }
0xbb: {  	v29 =	vld [tilespmem:s29+$0xFFFFFF80]  }
0xbc: {  	v30 =	vld [tilespmem:s29+$0xFFFFFF90]  }
0xbd: {  	v31 =	vld [tilespmem:s29+$0xFFFFFF40]  }
0xbe: {  	v32 =	vld [tilespmem:s29+$0xFFFFFF50]  }
0xbf: {  	v33 =	vld [tilespmem:s29+$0xFFFFFF00]  }
0xc0: {  	v34 =	vld [tilespmem:s29+$0xFFFFFF10]  }
0xc1: {  	v35 =	vld [tilespmem:s29+$0xFFFFFF20]  }
0xc2: {  	s28 =	sadd.s32 $0x8, s28;
	v36 =	vld [tilespmem:s29+$0xFFFFFF30]  }
0xc3: {  	p1 =	slt.u32 s28, $0xC0;
	v37 =	vld [tilespmem:s29+$0xFFFFFF60]  }
0xc4: {  	v38 =	vld [tilespmem:s29+$0xFFFFFF70]  }
0xc5: {  	v39 =	vld [tilespmem:s29+$0xFFFFFFA0]  }
0xc6: {  	v21 =	vadd.f32 v33, v21;
	v22 =	vadd.f32 v34, v22;
	v33 =	vld [tilespmem:s29+$0xFFFFFFB0]  }
0xc7: {  	v19 =	vadd.f32 v35, v19;
	v20 =	vadd.f32 v36, v20;
	v34 =	vld [tilespmem:s29+$0xFFFFFFE0]  }
0xc8: {  	v21 =	vadd.f32 v31, v21;
	v22 =	vadd.f32 v32, v22;
	v31 =	vld [tilespmem:s29+$0xFFFFFFF0]  }
0xc9: {  	v19 =	vadd.f32 v37, v19;
	v20 =	vadd.f32 v38, v20;
	v32 =	vld [tilespmem:s29+$0x20]  }
0xca: {  	v21 =	vadd.f32 v29, v21;
	v22 =	vadd.f32 v30, v22;
	v29 =	vld [tilespmem:s29+$0x30]  }
0xcb: {  	v30 =	vadd.f32 v39, v19;
	v33 =	vadd.f32 v33, v20;
	v19 =	vld [tilespmem:s29+$0x60]  }
.Ltmp1:
0xcc: {  	v26 =	vadd.f32 v26, v21;
	v22 =	vadd.f32 v28, v22;
	v20 =	vld [tilespmem:s29+$0x70];
	(pc) =	sbr.rel @p1 .LBB2_5-.Ltmp1, $4  }
0xcd: {  	v28 =	vadd.f32 v34, v30;
	v30 =	vadd.f32 v31, v33;
	v21 =	vld [tilespmem:s29+$0xA0]  }
0xce: {  	v31 =	vadd.f32 v24, v26;
	v33 =	vadd.f32 v25, v22;
	v22 =	vld [tilespmem:s29+$0xB0]  }
0xcf: {  	v26 =	vadd.f32 v32, v28;
	v25 =	vadd.f32 v29, v30;
	v24 =	vld [tilespmem:s29+$0xE0]  }
0xd0: {  	v27 =	vadd.f32 v27, v31;
	v28 =	vadd.f32 v23, v33;
	v23 =	vld [tilespmem:s29+$0xF0];
	s29 =	sadd.s32 $0x200, s29  }
0xd1: {  	_ = 	snop  }
0xd2: {  	v15 =	vadd.f32 v15, v27  }
0xd3: {  	v51 =	vadd.f32 v20, v25;
	v18 =	vadd.f32 v18, v28  }
0xd4: {  	v49 =	vadd.f32 v19, v26;
	v15 =	vadd.f32 v16, v15  }
0xd5: {  	v19 =	vadd.f32 v22, v51;
	v17 =	vadd.f32 v17, v18  }
0xd6: {  	v16 =	vadd.f32 v21, v49;
	v50 =	vmul.f32 v15, v0  }
0xd7: {  	v19 =	vadd.f32 v23, v19;
	v52 =	vmul.f32 v17, v1;
	v53 =	vmul.f32 v15, v4  }
0xd8: {  	v16 =	vadd.f32 v24, v16;
	v15 =	vmul.f32 v15, v8;
	v18 =	vadd.f32 v50, v12  }
0xd9: {  	v55 =	vmul.f32 v17, v5;
	v17 =	vmul.f32 v17, v9;
	v21 =	vadd.f32 v53, v13  }
0xda: {  	v54 =	vmul.f32 v16, v2;
	v15 =	vadd.f32 v15, v14;
	v18 =	vadd.f32 v52, v18  }
0xdb: {  	v58 =	vmul.f32 v19, v3;
	v57 =	vmul.f32 v16, v6;
	v56 =	vadd.f32 v55, v21  }
0xdc: {  	v16 =	vmul.f32 v16, v10;
	v15 =	vadd.f32 v17, v15;
	v18 =	vadd.f32 v54, v18  }
0xdd: {  	v60 =	vmul.f32 v19, v7;
	v59 =	vadd.f32 v57, v56  }
0xde: {  	v61 =	vmul.f32 v19, v11;
	v15 =	vadd.f32 v16, v15;
	v18 =	vadd.f32 v58, v18  }
0xdf: {  	v17 =	vadd.f32 v60, v59  }
0xe0: {  	v15 =	vadd.f32 v61, v15;
	(xrf2) =	vadd.scan.msk.f32 $0xffff, v18  }
0xe1: {  	(xrf2) =	vadd.scan.msk.f32 $0xffff, v17  }
0xe2: {  	(xrf2) =	vadd.scan.msk.f32 $0xffff, v15;
	_ =	sdelay $0x3  }
0xe3: {  	s28 =	sadd.s32 @!p0 $0x258, s25  }
0xe4: {  	s29 =	simm.s32 @!p0 $0x80;
	s30 =	simm.s32 @!p0 $0x9600;
	s25 =	sadd.s32 @!p0 $0x2D8, s25  }
0xe5: {  	[tilespmem:s30], [sflag:$0x2] =	stream.indirect.gather @!p0 [hbm4b:s4+s29], $0x40, s28, s29, $0xb8;
	[tilespmem:$0xD0F0] =	vst v63  }
0xe6: {  	s24 =	sadd.s32 $0x1, s24;
	s28 =	simm.s32 @!p0 $0x48;
	s29 =	simm.s32 @!p0 $0xB600  }
0xe7: {  	[tilespmem:s29], [sflag:$0x2] =	stream.indirect.gather @!p0 [hbm4b:s4+s28], $0x40, s25, s28, $0xb8;
	v15, _, _ =	vpop (xrf2);
	[tilespmem:$0xD0F0] =	vst v63  }
0xe8: {  	p0 =	sne.s32 s24, $0x40;
	v62, _, _ =	vpop (xrf2);
	v15 =	vbroadcast v15, $0xF  }
.Ltmp2:
0xe9: {  	v16 =	vbroadcast v62, $0xF;
	v63, _, _ =	vpop (xrf2);
	(pc) =	sbr.rel @p0 .LBB2_2-.Ltmp2, $4  }
0xea: {  	v15 =	vnsel vm0, $0x0, v15;
	v17 =	vbroadcast v63, $0xF  }
0xeb: {  	v15 =	vsel vm1, v15, v16  }
0xec: {  	v15 =	vsel vm2, v15, v17  }
0xed: {  	[tilespmem:s26+$0xC900] =	vst v15  }
0xee: {  	s23 =	sadd.s32 $0x1, s23  }
0xef: {  	p0 =	sne.s32 s23, s8  }
.Ltmp3:
0xf0: {  	_ = 	snop;
	(pc) =	sbr.rel @p0 .LBB2_1-.Ltmp3, $4  }
0xf1: {  	[hbm4b:s7+s3] =	stream.linear.scatter [tilespmem:s22], [sflag:$0x3], $0x800, $0x38;
	[tilespmem:$0xD0F0] =	vst v63  }
0xf2: {  	_ =	swait.ge [sflag:s9], $0x800  }
0xf3: {  	[sflag:s9] =	ssyncset.done $0x0  }
0xf4: {  	[sflag:s9] =	ssyncadd.s32 $0xFFFFF800  }
0xf5: {  	_ =	sfence.sel $0x180000  }
0xf6: {  	[bflag:$0x0] =	sbarrier.arrive $0xFFFF  }
0xf7: {  	p0 =	sne.s32 s0, $0x0;
	_ =	strace $0x90000047  }
0xf8: {  	s0 =	sadd.s32 @!p0 $0x100000, s1;
	[bflag:$0x2] =	sbarrier.arrive $0xFFFF  }
0xf9: {  	[sflag:s0] =	ssyncadd.tile.s32 @!p0 $0x1;
	_ =	shalt  }
.Lfunc_end2:
_tile_overlayer_lowered:
.L_overlay_start_2:
0xfa: {  	(tag) =	ssettag $0x2  }
0xfb: {  	s0 =	rddreg [dreg:$0x0];
	s2 =	stileid.u32  }
0xfc: {  	s1 =	rddreg [dreg:$0x1];
	p0 =	sne.s32 s2, $0x0  }
0xfd: {  	s3 =	rddreg [dreg:$0x2];
	[bflag:$0x3] =	sbarrier.arrive $0xFFFF;
	s2 =	simm.s32 @!p0 $0x1C03  }
0xfe: {  	[timem:s3], [sflag:s2] =	dma.local @!p0 [hbm:s0], s1  }
0xff: {  	s0 =	simm.s32 @!p0 $0x3  }
0x100: {  	_ =	swait.ge @!p0 [sflag:s0], s1  }
0x101: {  	s1 =	ssub.s32 @!p0 $0x0, s1;
	[sflag:s0] =	ssyncset.done @!p0 $0x0  }
0x102: {  	[sflag:s0] =	ssyncadd.s32 @!p0 s1  }
0x103: {  	[bflag:$0x3] =	sbarrier.arrive $0xFFFF  }
0x104: {  	_ =	shalt  }

</sc_bundles>
